<compile_context>
chip_gen: v7x
topology: tpu7x:2x2x1
jax: 0.10.2.dev20260603
libtpu: 0.0.44.dev20260713+nightly
codegen_flags: <defaults>
</compile_context>

<pallas_src>
import functools

import jax
import jax.numpy as jnp
from jax import lax
from jax.experimental import pallas as pl
from jax.experimental.pallas import tpu as pltpu
from jax.experimental.pallas import tpu_sc as plsc

_NUM_CORES = 2
_NUM_SUBCORES = 16
_NW = _NUM_CORES * _NUM_SUBCORES

_ENT_DIM = 64
_IDX_MINOR = 128
_SUB = 5
_CHUNK = _IDX_MINOR * _SUB


def _gather_body(n_chunks, idx_hbm, table_hbm, out_hbm, idx_v, rows, gsem, osem):
    wid = lax.axis_index("s") * _NUM_CORES + lax.axis_index("c")
    row_base = wid * (n_chunks * _CHUNK)

    pltpu.sync_copy(idx_hbm.at[wid], idx_v)

    def gather_dst(g, b, t):
        return rows.at[b, pl.ds(t * _IDX_MINOR, _IDX_MINOR)]

    def fire_gathers(g, b):
        for t in range(_SUB):
            pltpu.async_copy(
                table_hbm.at[idx_v.at[g * _SUB + t]],
                gather_dst(g, b, t),
                gsem.at[b],
            )

    def drain_gathers(g, b):
        for t in range(_SUB):
            pltpu.make_async_copy(
                table_hbm.at[idx_v.at[g * _SUB + t]],
                gather_dst(g, b, t),
                gsem.at[b],
            ).wait()

    def out_slice(g):
        return out_hbm.at[pl.ds(row_base + g * _CHUNK, _CHUNK)]

    def fire_out(g, b):
        pltpu.async_copy(rows.at[b], out_slice(g), osem.at[b])

    def drain_out(g, b):
        pltpu.make_async_copy(rows.at[b], out_slice(g), osem.at[b]).wait()

    fire_gathers(0, 0)

    @pl.loop(0, n_chunks, step=2)
    def _(g):
        for b in range(2):
            gb = g + b
            nxt = 1 - b

            @pl.when(gb >= 1)
            def _():
                drain_out(gb - 1, nxt)

            @pl.when(gb + 1 < n_chunks)
            def _():
                fire_gathers(gb + 1, nxt)

            drain_gathers(gb, b)
            fire_out(gb, b)

    drain_out(n_chunks - 1, 1)


def kernel(node_idx, ent_table):
    b, l = node_idx.shape
    n_rows = b * l
    assert n_rows % (_NW * _CHUNK) == 0
    n_chunks = n_rows // (_NW * _CHUNK)
    assert n_chunks % 2 == 0

    idx = node_idx.reshape(_NW, n_chunks * _SUB, _IDX_MINOR).astype(jnp.int32)

    mesh = plsc.VectorSubcoreMesh(
        core_axis_name="c", subcore_axis_name="s",
        num_cores=_NUM_CORES, num_subcores=_NUM_SUBCORES,
    )
    flat_out = pl.kernel(
        functools.partial(_gather_body, n_chunks),
        out_type=jax.ShapeDtypeStruct((n_rows, _ENT_DIM), jnp.float32),
        mesh=mesh,
        scratch_types=[
            pltpu.VMEM((n_chunks * _SUB, _IDX_MINOR), jnp.int32),
            pltpu.VMEM((2, _CHUNK, _ENT_DIM), jnp.float32),
            pltpu.SemaphoreType.DMA((2,)),
            pltpu.SemaphoreType.DMA((2,)),
        ],
        compiler_params=pltpu.CompilerParams(use_tc_tiling_on_sc=False),
        name="sc_embedding_gather",
    )(idx, ent_table)

    return flat_out.reshape(b, l, _ENT_DIM)

# --- scband reference (transcript-rebuilt; emitter-appended) ---
"""Pipeline reference for scband-knowledge-embedding-12867722019100 (READ-ONLY COPY).

The authoritative reference and input builder live on the scoring server;
editing this copy changes nothing except your own understanding.
"""

import jax, jax.numpy as jnp
import numpy as np

N_ENT = 1000000
ENT_DIM = 64
B = 16384
L = 50


def setup_inputs(seed: int = 0) -> dict:
    key = jax.random.key(seed)
    k1, k2 = jax.random.split(key)
    node_idx = jax.random.randint(k1, (B, L), 0, N_ENT)
    ent_table = jax.random.normal(k2, (N_ENT, ENT_DIM), dtype=jnp.float32)
    # padding_idx=0 -> row 0 is all zeros, matching nn.Embedding(padding_idx=0)
    ent_table = ent_table.at[0].set(0.0)
    return {"node_idx": node_idx, "ent_table": ent_table}


def reference(node_idx, ent_table):
    # KnowledgeEmbedding.get_ent_embeddings(node_idx) == self.ent_embeds(node_idx)
    # i.e. a plain embedding gather: table[node_idx]
    return jnp.take(ent_table, node_idx, axis=0)

if __name__ == "__main__":
    import jax
    _d = setup_inputs()
    print(jax.jit(kernel)(*tuple(_d.values())))

</pallas_src>

<mosaic_0001>
#map = affine_map<(d0, d1) -> (0, 0, 0)>
#map1 = affine_map<(d0, d1) -> (0, 0)>
module attributes {stable_mosaic.version = 14 : i64} {
  func.func @sc_embedding_gather(%arg0: i32, %arg1: i32, %arg2: memref<32x200x128xi32, #tpu.memory_space<hbm>>, %arg3: memref<1000000x64xf32, #tpu.memory_space<hbm>>, %arg4: memref<819200x64xf32, #tpu.memory_space<hbm>>, %arg5: memref<200x128xi32, #tpu.memory_space<vmem>>, %arg6: memref<2x640x64xf32, #tpu.memory_space<vmem>>, %arg7: memref<2x!tpu.dma_semaphore, #tpu.memory_space<semaphore_mem>>, %arg8: memref<2x!tpu.dma_semaphore, #tpu.memory_space<semaphore_mem>>) attributes {dimension_semantics = [#tpu.dimension_semantics<core_parallel>, #tpu.dimension_semantics<subcore_parallel>], iteration_bounds = array<i64: 2, 16>, scalar_prefetch = 0 : i64, scratch_operands = 4 : i64, tpu.core_type = #tpu.core_type<sc_vector_subcore>, window_params = [{transform_indices = #map}, {transform_indices = #map1}, {transform_indices = #map1}]} {
    %mul3A = arith.constant 2 : i32
    %mul3A_0 = arith.muli %arg1, %mul3A : i32
    %add3A = arith.addi %mul3A_0, %arg0 : i32
    %mul3A_1 = arith.constant 25600 : i32
    %mul3A_2 = arith.muli %add3A, %mul3A_1 : i32
    "tpu.region"() ({
      %run_scoped3A = tpu.sem_alloc : memref<!tpu.dma_semaphore, #tpu.memory_space<semaphore_mem>>
      %dma_start3A_98 = arith.constant 0 : i32
      %dma_start3A_99 = arith.constant 0 : i32
      %dma_start3A_100 = tpu.memref_slice %arg2[%add3A, %dma_start3A_98, %dma_start3A_99] : memref<32x200x128xi32, #tpu.memory_space<hbm>> -> memref<1x200x128xi32, #tpu.memory_space<hbm>>
      %dma_start3A_101 = tpu.memref_squeeze %dma_start3A_100 : memref<1x200x128xi32, #tpu.memory_space<hbm>> -> memref<200x128xi32, #tpu.memory_space<hbm>>
      %dma_start3A_102 = arith.constant 0 : i32
      %dma_start3A_103 = arith.constant 0 : i32
      %dma_start3A_104 = tpu.memref_slice %arg2[%add3A, %dma_start3A_102, %dma_start3A_103] : memref<32x200x128xi32, #tpu.memory_space<hbm>> -> memref<1x200x128xi32, #tpu.memory_space<hbm>>
      %dma_start3A_105 = tpu.memref_squeeze %dma_start3A_104 : memref<1x200x128xi32, #tpu.memory_space<hbm>> -> memref<200x128xi32, #tpu.memory_space<hbm>>
      tpu.enqueue_dma source(%dma_start3A_105 : memref<200x128xi32, #tpu.memory_space<hbm>>) target(%arg5 : memref<200x128xi32, #tpu.memory_space<vmem>>) target_semaphore(%run_scoped3A : memref<!tpu.dma_semaphore, #tpu.memory_space<semaphore_mem>>)
      %dma_wait3A_106 = arith.constant 0 : i32
      %dma_wait3A_107 = arith.constant 0 : i32
      %dma_wait3A_108 = tpu.memref_slice %arg2[%add3A, %dma_wait3A_106, %dma_wait3A_107] : memref<32x200x128xi32, #tpu.memory_space<hbm>> -> memref<1x200x128xi32, #tpu.memory_space<hbm>>
      %dma_wait3A_109 = tpu.memref_squeeze %dma_wait3A_108 : memref<1x200x128xi32, #tpu.memory_space<hbm>> -> memref<200x128xi32, #tpu.memory_space<hbm>>
      %dma_wait3A_110 = arith.constant 0 : i32
      %dma_wait3A_111 = arith.constant 0 : i32
      %dma_wait3A_112 = tpu.memref_slice %arg2[%add3A, %dma_wait3A_110, %dma_wait3A_111] : memref<32x200x128xi32, #tpu.memory_space<hbm>> -> memref<1x200x128xi32, #tpu.memory_space<hbm>>
      %dma_wait3A_113 = tpu.memref_squeeze %dma_wait3A_112 : memref<1x200x128xi32, #tpu.memory_space<hbm>> -> memref<200x128xi32, #tpu.memory_space<hbm>>
      tpu.wait_dma2 semaphore(%run_scoped3A : memref<!tpu.dma_semaphore, #tpu.memory_space<semaphore_mem>>) src(%dma_wait3A_113 : memref<200x128xi32, #tpu.memory_space<hbm>>) dst(%arg5 : memref<200x128xi32, #tpu.memory_space<vmem>>)
      tpu.yield
    }) : () -> ()
    %dma_start3A = arith.constant 0 : i32
    %dma_start3A_3 = arith.constant 0 : i32
    %dma_start3A_4 = arith.constant 0 : i32
    %dma_start3A_5 = arith.constant 0 : i32
    %dma_start3A_6 = arith.constant 0 : i32
    %dma_start3A_7 = tpu.memref_slice %arg6[%dma_start3A_3, %dma_start3A_5, %dma_start3A_6] : memref<2x640x64xf32, #tpu.memory_space<vmem>> -> memref<1x128x64xf32, #tpu.memory_space<vmem>>
    %dma_start3A_8 = tpu.memref_squeeze %dma_start3A_7 : memref<1x128x64xf32, #tpu.memory_space<vmem>> -> memref<128x64xf32, #tpu.memory_space<vmem>>
    %dma_start3A_9 = arith.constant 0 : i32
    %dma_start3A_10 = tpu.memref_slice %arg5[%dma_start3A, %dma_start3A_9] : memref<200x128xi32, #tpu.memory_space<vmem>> -> memref<1x128xi32, #tpu.memory_space<vmem>>
    %dma_start3A_11 = tpu.memref_squeeze %dma_start3A_10 : memref<1x128xi32, #tpu.memory_space<vmem>> -> memref<128xi32, #tpu.memory_space<vmem>>
    %dma_start3A_12 = arith.constant 0 : i32
    %dma_start3A_13 = arith.constant 0 : i32
    %dma_start3A_14 = tpu.memref_slice %arg3[%dma_start3A_12, %dma_start3A_13] : memref<1000000x64xf32, #tpu.memory_space<hbm>> -> memref<1000000x64xf32, #tpu.memory_space<hbm>>
    %dma_start3A_15 = tpu.memref_slice %arg7[%dma_start3A_4] : memref<2x!tpu.dma_semaphore, #tpu.memory_space<semaphore_mem>> -> memref<1x!tpu.dma_semaphore, #tpu.memory_space<semaphore_mem>>
    %dma_start3A_16 = tpu.memref_squeeze %dma_start3A_15 : memref<1x!tpu.dma_semaphore, #tpu.memory_space<semaphore_mem>> -> memref<!tpu.dma_semaphore, #tpu.memory_space<semaphore_mem>>
    tpu.enqueue_indirect_dma source(%dma_start3A_14 : memref<1000000x64xf32, #tpu.memory_space<hbm>>) target(%dma_start3A_8 : memref<128x64xf32, #tpu.memory_space<vmem>>) offsets(%dma_start3A_11 : memref<128xi32, #tpu.memory_space<vmem>>) semaphore(%dma_start3A_16 : memref<!tpu.dma_semaphore, #tpu.memory_space<semaphore_mem>>)
    %dma_start3A_17 = arith.constant 1 : i32
    %dma_start3A_18 = arith.constant 0 : i32
    %dma_start3A_19 = arith.constant 0 : i32
    %dma_start3A_20 = arith.constant 128 : i32
    %dma_start3A_21 = arith.constant 0 : i32
    %dma_start3A_22 = tpu.memref_slice %arg6[%dma_start3A_18, %dma_start3A_20, %dma_start3A_21] : memref<2x640x64xf32, #tpu.memory_space<vmem>> -> memref<1x128x64xf32, #tpu.memory_space<vmem>>
    %dma_start3A_23 = tpu.memref_squeeze %dma_start3A_22 : memref<1x128x64xf32, #tpu.memory_space<vmem>> -> memref<128x64xf32, #tpu.memory_space<vmem>>
    %dma_start3A_24 = arith.constant 0 : i32
    %dma_start3A_25 = tpu.memref_slice %arg5[%dma_start3A_17, %dma_start3A_24] : memref<200x128xi32, #tpu.memory_space<vmem>> -> memref<1x128xi32, #tpu.memory_space<vmem>>
    %dma_start3A_26 = tpu.memref_squeeze %dma_start3A_25 : memref<1x128xi32, #tpu.memory_space<vmem>> -> memref<128xi32, #tpu.memory_space<vmem>>
    %dma_start3A_27 = arith.constant 0 : i32
    %dma_start3A_28 = arith.constant 0 : i32
    %dma_start3A_29 = tpu.memref_slice %arg3[%dma_start3A_27, %dma_start3A_28] : memref<1000000x64xf32, #tpu.memory_space<hbm>> -> memref<1000000x64xf32, #tpu.memory_space<hbm>>
    %dma_start3A_30 = tpu.memref_slice %arg7[%dma_start3A_19] : memref<2x!tpu.dma_semaphore, #tpu.memory_space<semaphore_mem>> -> memref<1x!tpu.dma_semaphore, #tpu.memory_space<semaphore_mem>>
    %dma_start3A_31 = tpu.memref_squeeze %dma_start3A_30 : memref<1x!tpu.dma_semaphore, #tpu.memory_space<semaphore_mem>> -> memref<!tpu.dma_semaphore, #tpu.memory_space<semaphore_mem>>
    tpu.enqueue_indirect_dma source(%dma_start3A_29 : memref<1000000x64xf32, #tpu.memory_space<hbm>>) target(%dma_start3A_23 : memref<128x64xf32, #tpu.memory_space<vmem>>) offsets(%dma_start3A_26 : memref<128xi32, #tpu.memory_space<vmem>>) semaphore(%dma_start3A_31 : memref<!tpu.dma_semaphore, #tpu.memory_space<semaphore_mem>>)
    %dma_start3A_32 = arith.constant 2 : i32
    %dma_start3A_33 = arith.constant 0 : i32
    %dma_start3A_34 = arith.constant 0 : i32
    %dma_start3A_35 = arith.constant 256 : i32
    %dma_start3A_36 = arith.constant 0 : i32
    %dma_start3A_37 = tpu.memref_slice %arg6[%dma_start3A_33, %dma_start3A_35, %dma_start3A_36] : memref<2x640x64xf32, #tpu.memory_space<vmem>> -> memref<1x128x64xf32, #tpu.memory_space<vmem>>
    %dma_start3A_38 = tpu.memref_squeeze %dma_start3A_37 : memref<1x128x64xf32, #tpu.memory_space<vmem>> -> memref<128x64xf32, #tpu.memory_space<vmem>>
    %dma_start3A_39 = arith.constant 0 : i32
    %dma_start3A_40 = tpu.memref_slice %arg5[%dma_start3A_32, %dma_start3A_39] : memref<200x128xi32, #tpu.memory_space<vmem>> -> memref<1x128xi32, #tpu.memory_space<vmem>>
    %dma_start3A_41 = tpu.memref_squeeze %dma_start3A_40 : memref<1x128xi32, #tpu.memory_space<vmem>> -> memref<128xi32, #tpu.memory_space<vmem>>
    %dma_start3A_42 = arith.constant 0 : i32
    %dma_start3A_43 = arith.constant 0 : i32
    %dma_start3A_44 = tpu.memref_slice %arg3[%dma_start3A_42, %dma_start3A_43] : memref<1000000x64xf32, #tpu.memory_space<hbm>> -> memref<1000000x64xf32, #tpu.memory_space<hbm>>
    %dma_start3A_45 = tpu.memref_slice %arg7[%dma_start3A_34] : memref<2x!tpu.dma_semaphore, #tpu.memory_space<semaphore_mem>> -> memref<1x!tpu.dma_semaphore, #tpu.memory_space<semaphore_mem>>
    %dma_start3A_46 = tpu.memref_squeeze %dma_start3A_45 : memref<1x!tpu.dma_semaphore, #tpu.memory_space<semaphore_mem>> -> memref<!tpu.dma_semaphore, #tpu.memory_space<semaphore_mem>>
    tpu.enqueue_indirect_dma source(%dma_start3A_44 : memref<1000000x64xf32, #tpu.memory_space<hbm>>) target(%dma_start3A_38 : memref<128x64xf32, #tpu.memory_space<vmem>>) offsets(%dma_start3A_41 : memref<128xi32, #tpu.memory_space<vmem>>) semaphore(%dma_start3A_46 : memref<!tpu.dma_semaphore, #tpu.memory_space<semaphore_mem>>)
    %dma_start3A_47 = arith.constant 3 : i32
    %dma_start3A_48 = arith.constant 0 : i32
    %dma_start3A_49 = arith.constant 0 : i32
    %dma_start3A_50 = arith.constant 384 : i32
    %dma_start3A_51 = arith.constant 0 : i32
    %dma_start3A_52 = tpu.memref_slice %arg6[%dma_start3A_48, %dma_start3A_50, %dma_start3A_51] : memref<2x640x64xf32, #tpu.memory_space<vmem>> -> memref<1x128x64xf32, #tpu.memory_space<vmem>>
    %dma_start3A_53 = tpu.memref_squeeze %dma_start3A_52 : memref<1x128x64xf32, #tpu.memory_space<vmem>> -> memref<128x64xf32, #tpu.memory_space<vmem>>
    %dma_start3A_54 = arith.constant 0 : i32
    %dma_start3A_55 = tpu.memref_slice %arg5[%dma_start3A_47, %dma_start3A_54] : memref<200x128xi32, #tpu.memory_space<vmem>> -> memref<1x128xi32, #tpu.memory_space<vmem>>
    %dma_start3A_56 = tpu.memref_squeeze %dma_start3A_55 : memref<1x128xi32, #tpu.memory_space<vmem>> -> memref<128xi32, #tpu.memory_space<vmem>>
    %dma_start3A_57 = arith.constant 0 : i32
    %dma_start3A_58 = arith.constant 0 : i32
    %dma_start3A_59 = tpu.memref_slice %arg3[%dma_start3A_57, %dma_start3A_58] : memref<1000000x64xf32, #tpu.memory_space<hbm>> -> memref<1000000x64xf32, #tpu.memory_space<hbm>>
    %dma_start3A_60 = tpu.memref_slice %arg7[%dma_start3A_49] : memref<2x!tpu.dma_semaphore, #tpu.memory_space<semaphore_mem>> -> memref<1x!tpu.dma_semaphore, #tpu.memory_space<semaphore_mem>>
    %dma_start3A_61 = tpu.memref_squeeze %dma_start3A_60 : memref<1x!tpu.dma_semaphore, #tpu.memory_space<semaphore_mem>> -> memref<!tpu.dma_semaphore, #tpu.memory_space<semaphore_mem>>
    tpu.enqueue_indirect_dma source(%dma_start3A_59 : memref<1000000x64xf32, #tpu.memory_space<hbm>>) target(%dma_start3A_53 : memref<128x64xf32, #tpu.memory_space<vmem>>) offsets(%dma_start3A_56 : memref<128xi32, #tpu.memory_space<vmem>>) semaphore(%dma_start3A_61 : memref<!tpu.dma_semaphore, #tpu.memory_space<semaphore_mem>>)
    %dma_start3A_62 = arith.constant 4 : i32
    %dma_start3A_63 = arith.constant 0 : i32
    %dma_start3A_64 = arith.constant 0 : i32
    %dma_start3A_65 = arith.constant 512 : i32
    %dma_start3A_66 = arith.constant 0 : i32
    %dma_start3A_67 = tpu.memref_slice %arg6[%dma_start3A_63, %dma_start3A_65, %dma_start3A_66] : memref<2x640x64xf32, #tpu.memory_space<vmem>> -> memref<1x128x64xf32, #tpu.memory_space<vmem>>
    %dma_start3A_68 = tpu.memref_squeeze %dma_start3A_67 : memref<1x128x64xf32, #tpu.memory_space<vmem>> -> memref<128x64xf32, #tpu.memory_space<vmem>>
    %dma_start3A_69 = arith.constant 0 : i32
    %dma_start3A_70 = tpu.memref_slice %arg5[%dma_start3A_62, %dma_start3A_69] : memref<200x128xi32, #tpu.memory_space<vmem>> -> memref<1x128xi32, #tpu.memory_space<vmem>>
    %dma_start3A_71 = tpu.memref_squeeze %dma_start3A_70 : memref<1x128xi32, #tpu.memory_space<vmem>> -> memref<128xi32, #tpu.memory_space<vmem>>
    %dma_start3A_72 = arith.constant 0 : i32
    %dma_start3A_73 = arith.constant 0 : i32
    %dma_start3A_74 = tpu.memref_slice %arg3[%dma_start3A_72, %dma_start3A_73] : memref<1000000x64xf32, #tpu.memory_space<hbm>> -> memref<1000000x64xf32, #tpu.memory_space<hbm>>
    %dma_start3A_75 = tpu.memref_slice %arg7[%dma_start3A_64] : memref<2x!tpu.dma_semaphore, #tpu.memory_space<semaphore_mem>> -> memref<1x!tpu.dma_semaphore, #tpu.memory_space<semaphore_mem>>
    %dma_start3A_76 = tpu.memref_squeeze %dma_start3A_75 : memref<1x!tpu.dma_semaphore, #tpu.memory_space<semaphore_mem>> -> memref<!tpu.dma_semaphore, #tpu.memory_space<semaphore_mem>>
    tpu.enqueue_indirect_dma source(%dma_start3A_74 : memref<1000000x64xf32, #tpu.memory_space<hbm>>) target(%dma_start3A_68 : memref<128x64xf32, #tpu.memory_space<vmem>>) offsets(%dma_start3A_71 : memref<128xi32, #tpu.memory_space<vmem>>) semaphore(%dma_start3A_76 : memref<!tpu.dma_semaphore, #tpu.memory_space<semaphore_mem>>)
    %scan3A = arith.constant 0 : i32
    %scan3A_77 = arith.constant 20 : i32
    %scan3A_78 = arith.addi %scan3A, %scan3A_77 : i32
    %scan3A_79 = arith.constant 1 : i32
    scf.for %scan3A_98 = %scan3A to %scan3A_78 step %scan3A_79  : i32 {
      %mul3A_99 = arith.constant 2 : i32
      %mul3A_100 = arith.muli %scan3A_98, %mul3A_99 : i32
      %add3A_101 = arith.constant 0 : i32
      %add3A_102 = arith.addi %add3A_101, %mul3A_100 : i32
      %add3A_103 = arith.constant 0 : i32
      %add3A_104 = arith.addi %add3A_102, %add3A_103 : i32
      %ge3A = arith.constant 1 : i32
      %ge3A_105 = arith.cmpi sge, %add3A_104, %ge3A : i32
      %convert_element_type3A = arith.extui %ge3A_105 : i1 to i32
      %cond3A = arith.constant 0 : i32
      %cond3A_106 = arith.cmpi ne, %convert_element_type3A, %cond3A : i32
      scf.if %cond3A_106 {
        %sub3A = arith.constant 1 : i32
        %sub3A_345 = arith.subi %add3A_104, %sub3A : i32
        %mul3A_346 = arith.constant 640 : i32
        %mul3A_347 = arith.muli %sub3A_345, %mul3A_346 : i32
        %add3A_348 = arith.addi %mul3A_2, %mul3A_347 : i32
        %dma_wait3A_349 = arith.constant 1 : i32
        %dma_wait3A_350 = arith.constant 1 : i32
        %dma_wait3A_351 = arith.constant 0 : i32
        %dma_wait3A_352 = arith.constant 0 : i32
        %dma_wait3A_353 = tpu.memref_slice %arg6[%dma_wait3A_349, %dma_wait3A_351, %dma_wait3A_352] : memref<2x640x64xf32, #tpu.memory_space<vmem>> -> memref<1x640x64xf32, #tpu.memory_space<vmem>>
        %dma_wait3A_354 = tpu.memref_squeeze %dma_wait3A_353 : memref<1x640x64xf32, #tpu.memory_space<vmem>> -> memref<640x64xf32, #tpu.memory_space<vmem>>
        %dma_wait3A_355 = arith.constant 0 : i32
        %dma_wait3A_356 = tpu.memref_slice %arg4[%add3A_348, %dma_wait3A_355] : memref<819200x64xf32, #tpu.memory_space<hbm>> -> memref<640x64xf32, #tpu.memory_space<hbm>>
        %dma_wait3A_357 = tpu.memref_slice %arg8[%dma_wait3A_350] : memref<2x!tpu.dma_semaphore, #tpu.memory_space<semaphore_mem>> -> memref<1x!tpu.dma_semaphore, #tpu.memory_space<semaphore_mem>>
        %dma_wait3A_358 = tpu.memref_squeeze %dma_wait3A_357 : memref<1x!tpu.dma_semaphore, #tpu.memory_space<semaphore_mem>> -> memref<!tpu.dma_semaphore, #tpu.memory_space<semaphore_mem>>
        %dma_wait3A_359 = arith.constant 0 : i32
        %dma_wait3A_360 = tpu.memref_slice %arg4[%add3A_348, %dma_wait3A_359] : memref<819200x64xf32, #tpu.memory_space<hbm>> -> memref<640x64xf32, #tpu.memory_space<hbm>>
        %dma_wait3A_361 = arith.constant 0 : i32
        %dma_wait3A_362 = arith.constant 0 : i32
        %dma_wait3A_363 = tpu.memref_slice %arg6[%dma_wait3A_349, %dma_wait3A_361, %dma_wait3A_362] : memref<2x640x64xf32, #tpu.memory_space<vmem>> -> memref<1x640x64xf32, #tpu.memory_space<vmem>>
        %dma_wait3A_364 = tpu.memref_squeeze %dma_wait3A_363 : memref<1x640x64xf32, #tpu.memory_space<vmem>> -> memref<640x64xf32, #tpu.memory_space<vmem>>
        tpu.wait_dma2 semaphore(%dma_wait3A_358 : memref<!tpu.dma_semaphore, #tpu.memory_space<semaphore_mem>>) src(%dma_wait3A_364 : memref<640x64xf32, #tpu.memory_space<vmem>>) dst(%dma_wait3A_360 : memref<640x64xf32, #tpu.memory_space<hbm>>)
      } else {
      }
      %add3A_107 = arith.constant 1 : i32
      %add3A_108 = arith.addi %add3A_104, %add3A_107 : i32
      %lt3A = arith.constant 40 : i32
      %lt3A_109 = arith.cmpi slt, %add3A_108, %lt3A : i32
      %convert_element_type3A_110 = arith.extui %lt3A_109 : i1 to i32
      %cond3A_111 = arith.constant 0 : i32
      %cond3A_112 = arith.cmpi ne, %convert_element_type3A_110, %cond3A_111 : i32
      scf.if %cond3A_112 {
        %add3A_345 = arith.constant 1 : i32
        %add3A_346 = arith.addi %add3A_104, %add3A_345 : i32
        %mul3A_347 = arith.constant 5 : i32
        %mul3A_348 = arith.muli %add3A_346, %mul3A_347 : i32
        %add3A_349 = arith.constant 0 : i32
        %add3A_350 = arith.addi %mul3A_348, %add3A_349 : i32
        %dma_start3A_351 = arith.constant 1 : i32
        %dma_start3A_352 = arith.constant 1 : i32
        %dma_start3A_353 = arith.constant 0 : i32
        %dma_start3A_354 = arith.constant 0 : i32
        %dma_start3A_355 = tpu.memref_slice %arg6[%dma_start3A_351, %dma_start3A_353, %dma_start3A_354] : memref<2x640x64xf32, #tpu.memory_space<vmem>> -> memref<1x128x64xf32, #tpu.memory_space<vmem>>
        %dma_start3A_356 = tpu.memref_squeeze %dma_start3A_355 : memref<1x128x64xf32, #tpu.memory_space<vmem>> -> memref<128x64xf32, #tpu.memory_space<vmem>>
        %dma_start3A_357 = arith.constant 0 : i32
        %dma_start3A_358 = tpu.memref_slice %arg5[%add3A_350, %dma_start3A_357] : memref<200x128xi32, #tpu.memory_space<vmem>> -> memref<1x128xi32, #tpu.memory_space<vmem>>
        %dma_start3A_359 = tpu.memref_squeeze %dma_start3A_358 : memref<1x128xi32, #tpu.memory_space<vmem>> -> memref<128xi32, #tpu.memory_space<vmem>>
        %dma_start3A_360 = arith.constant 0 : i32
        %dma_start3A_361 = arith.constant 0 : i32
        %dma_start3A_362 = tpu.memref_slice %arg3[%dma_start3A_360, %dma_start3A_361] : memref<1000000x64xf32, #tpu.memory_space<hbm>> -> memref<1000000x64xf32, #tpu.memory_space<hbm>>
        %dma_start3A_363 = tpu.memref_slice %arg7[%dma_start3A_352] : memref<2x!tpu.dma_semaphore, #tpu.memory_space<semaphore_mem>> -> memref<1x!tpu.dma_semaphore, #tpu.memory_space<semaphore_mem>>
        %dma_start3A_364 = tpu.memref_squeeze %dma_start3A_363 : memref<1x!tpu.dma_semaphore, #tpu.memory_space<semaphore_mem>> -> memref<!tpu.dma_semaphore, #tpu.memory_space<semaphore_mem>>
        tpu.enqueue_indirect_dma source(%dma_start3A_362 : memref<1000000x64xf32, #tpu.memory_space<hbm>>) target(%dma_start3A_356 : memref<128x64xf32, #tpu.memory_space<vmem>>) offsets(%dma_start3A_359 : memref<128xi32, #tpu.memory_space<vmem>>) semaphore(%dma_start3A_364 : memref<!tpu.dma_semaphore, #tpu.memory_space<semaphore_mem>>)
        %mul3A_365 = arith.constant 5 : i32
        %mul3A_366 = arith.muli %add3A_346, %mul3A_365 : i32
        %add3A_367 = arith.constant 1 : i32
        %add3A_368 = arith.addi %mul3A_366, %add3A_367 : i32
        %dma_start3A_369 = arith.constant 1 : i32
        %dma_start3A_370 = arith.constant 1 : i32
        %dma_start3A_371 = arith.constant 128 : i32
        %dma_start3A_372 = arith.constant 0 : i32
        %dma_start3A_373 = tpu.memref_slice %arg6[%dma_start3A_369, %dma_start3A_371, %dma_start3A_372] : memref<2x640x64xf32, #tpu.memory_space<vmem>> -> memref<1x128x64xf32, #tpu.memory_space<vmem>>
        %dma_start3A_374 = tpu.memref_squeeze %dma_start3A_373 : memref<1x128x64xf32, #tpu.memory_space<vmem>> -> memref<128x64xf32, #tpu.memory_space<vmem>>
        %dma_start3A_375 = arith.constant 0 : i32
        %dma_start3A_376 = tpu.memref_slice %arg5[%add3A_368, %dma_start3A_375] : memref<200x128xi32, #tpu.memory_space<vmem>> -> memref<1x128xi32, #tpu.memory_space<vmem>>
        %dma_start3A_377 = tpu.memref_squeeze %dma_start3A_376 : memref<1x128xi32, #tpu.memory_space<vmem>> -> memref<128xi32, #tpu.memory_space<vmem>>
        %dma_start3A_378 = arith.constant 0 : i32
        %dma_start3A_379 = arith.constant 0 : i32
        %dma_start3A_380 = tpu.memref_slice %arg3[%dma_start3A_378, %dma_start3A_379] : memref<1000000x64xf32, #tpu.memory_space<hbm>> -> memref<1000000x64xf32, #tpu.memory_space<hbm>>
        %dma_start3A_381 = tpu.memref_slice %arg7[%dma_start3A_370] : memref<2x!tpu.dma_semaphore, #tpu.memory_space<semaphore_mem>> -> memref<1x!tpu.dma_semaphore, #tpu.memory_space<semaphore_mem>>
        %dma_start3A_382 = tpu.memref_squeeze %dma_start3A_381 : memref<1x!tpu.dma_semaphore, #tpu.memory_space<semaphore_mem>> -> memref<!tpu.dma_semaphore, #tpu.memory_space<semaphore_mem>>
        tpu.enqueue_indirect_dma source(%dma_start3A_380 : memref<1000000x64xf32, #tpu.memory_space<hbm>>) target(%dma_start3A_374 : memref<128x64xf32, #tpu.memory_space<vmem>>) offsets(%dma_start3A_377 : memref<128xi32, #tpu.memory_space<vmem>>) semaphore(%dma_start3A_382 : memref<!tpu.dma_semaphore, #tpu.memory_space<semaphore_mem>>)
        %mul3A_383 = arith.constant 5 : i32
        %mul3A_384 = arith.muli %add3A_346, %mul3A_383 : i32
        %add3A_385 = arith.constant 2 : i32
        %add3A_386 = arith.addi %mul3A_384, %add3A_385 : i32
        %dma_start3A_387 = arith.constant 1 : i32
        %dma_start3A_388 = arith.constant 1 : i32
        %dma_start3A_389 = arith.constant 256 : i32
        %dma_start3A_390 = arith.constant 0 : i32
        %dma_start3A_391 = tpu.memref_slice %arg6[%dma_start3A_387, %dma_start3A_389, %dma_start3A_390] : memref<2x640x64xf32, #tpu.memory_space<vmem>> -> memref<1x128x64xf32, #tpu.memory_space<vmem>>
        %dma_start3A_392 = tpu.memref_squeeze %dma_start3A_391 : memref<1x128x64xf32, #tpu.memory_space<vmem>> -> memref<128x64xf32, #tpu.memory_space<vmem>>
        %dma_start3A_393 = arith.constant 0 : i32
        %dma_start3A_394 = tpu.memref_slice %arg5[%add3A_386, %dma_start3A_393] : memref<200x128xi32, #tpu.memory_space<vmem>> -> memref<1x128xi32, #tpu.memory_space<vmem>>
        %dma_start3A_395 = tpu.memref_squeeze %dma_start3A_394 : memref<1x128xi32, #tpu.memory_space<vmem>> -> memref<128xi32, #tpu.memory_space<vmem>>
        %dma_start3A_396 = arith.constant 0 : i32
        %dma_start3A_397 = arith.constant 0 : i32
        %dma_start3A_398 = tpu.memref_slice %arg3[%dma_start3A_396, %dma_start3A_397] : memref<1000000x64xf32, #tpu.memory_space<hbm>> -> memref<1000000x64xf32, #tpu.memory_space<hbm>>
        %dma_start3A_399 = tpu.memref_slice %arg7[%dma_start3A_388] : memref<2x!tpu.dma_semaphore, #tpu.memory_space<semaphore_mem>> -> memref<1x!tpu.dma_semaphore, #tpu.memory_space<semaphore_mem>>
        %dma_start3A_400 = tpu.memref_squeeze %dma_start3A_399 : memref<1x!tpu.dma_semaphore, #tpu.memory_space<semaphore_mem>> -> memref<!tpu.dma_semaphore, #tpu.memory_space<semaphore_mem>>
        tpu.enqueue_indirect_dma source(%dma_start3A_398 : memref<1000000x64xf32, #tpu.memory_space<hbm>>) target(%dma_start3A_392 : memref<128x64xf32, #tpu.memory_space<vmem>>) offsets(%dma_start3A_395 : memref<128xi32, #tpu.memory_space<vmem>>) semaphore(%dma_start3A_400 : memref<!tpu.dma_semaphore, #tpu.memory_space<semaphore_mem>>)
        %mul3A_401 = arith.constant 5 : i32
        %mul3A_402 = arith.muli %add3A_346, %mul3A_401 : i32
        %add3A_403 = arith.constant 3 : i32
        %add3A_404 = arith.addi %mul3A_402, %add3A_403 : i32
        %dma_start3A_405 = arith.constant 1 : i32
        %dma_start3A_406 = arith.constant 1 : i32
        %dma_start3A_407 = arith.constant 384 : i32
        %dma_start3A_408 = arith.constant 0 : i32
        %dma_start3A_409 = tpu.memref_slice %arg6[%dma_start3A_405, %dma_start3A_407, %dma_start3A_408] : memref<2x640x64xf32, #tpu.memory_space<vmem>> -> memref<1x128x64xf32, #tpu.memory_space<vmem>>
        %dma_start3A_410 = tpu.memref_squeeze %dma_start3A_409 : memref<1x128x64xf32, #tpu.memory_space<vmem>> -> memref<128x64xf32, #tpu.memory_space<vmem>>
        %dma_start3A_411 = arith.constant 0 : i32
        %dma_start3A_412 = tpu.memref_slice %arg5[%add3A_404, %dma_start3A_411] : memref<200x128xi32, #tpu.memory_space<vmem>> -> memref<1x128xi32, #tpu.memory_space<vmem>>
        %dma_start3A_413 = tpu.memref_squeeze %dma_start3A_412 : memref<1x128xi32, #tpu.memory_space<vmem>> -> memref<128xi32, #tpu.memory_space<vmem>>
        %dma_start3A_414 = arith.constant 0 : i32
        %dma_start3A_415 = arith.constant 0 : i32
        %dma_start3A_416 = tpu.memref_slice %arg3[%dma_start3A_414, %dma_start3A_415] : memref<1000000x64xf32, #tpu.memory_space<hbm>> -> memref<1000000x64xf32, #tpu.memory_space<hbm>>
        %dma_start3A_417 = tpu.memref_slice %arg7[%dma_start3A_406] : memref<2x!tpu.dma_semaphore, #tpu.memory_space<semaphore_mem>> -> memref<1x!tpu.dma_semaphore, #tpu.memory_space<semaphore_mem>>
        %dma_start3A_418 = tpu.memref_squeeze %dma_start3A_417 : memref<1x!tpu.dma_semaphore, #tpu.memory_space<semaphore_mem>> -> memref<!tpu.dma_semaphore, #tpu.memory_space<semaphore_mem>>
        tpu.enqueue_indirect_dma source(%dma_start3A_416 : memref<1000000x64xf32, #tpu.memory_space<hbm>>) target(%dma_start3A_410 : memref<128x64xf32, #tpu.memory_space<vmem>>) offsets(%dma_start3A_413 : memref<128xi32, #tpu.memory_space<vmem>>) semaphore(%dma_start3A_418 : memref<!tpu.dma_semaphore, #tpu.memory_space<semaphore_mem>>)
        %mul3A_419 = arith.constant 5 : i32
        %mul3A_420 = arith.muli %add3A_346, %mul3A_419 : i32
        %add3A_421 = arith.constant 4 : i32
        %add3A_422 = arith.addi %mul3A_420, %add3A_421 : i32
        %dma_start3A_423 = arith.constant 1 : i32
        %dma_start3A_424 = arith.constant 1 : i32
        %dma_start3A_425 = arith.constant 512 : i32
        %dma_start3A_426 = arith.constant 0 : i32
        %dma_start3A_427 = tpu.memref_slice %arg6[%dma_start3A_423, %dma_start3A_425, %dma_start3A_426] : memref<2x640x64xf32, #tpu.memory_space<vmem>> -> memref<1x128x64xf32, #tpu.memory_space<vmem>>
        %dma_start3A_428 = tpu.memref_squeeze %dma_start3A_427 : memref<1x128x64xf32, #tpu.memory_space<vmem>> -> memref<128x64xf32, #tpu.memory_space<vmem>>
        %dma_start3A_429 = arith.constant 0 : i32
        %dma_start3A_430 = tpu.memref_slice %arg5[%add3A_422, %dma_start3A_429] : memref<200x128xi32, #tpu.memory_space<vmem>> -> memref<1x128xi32, #tpu.memory_space<vmem>>
        %dma_start3A_431 = tpu.memref_squeeze %dma_start3A_430 : memref<1x128xi32, #tpu.memory_space<vmem>> -> memref<128xi32, #tpu.memory_space<vmem>>
        %dma_start3A_432 = arith.constant 0 : i32
        %dma_start3A_433 = arith.constant 0 : i32
        %dma_start3A_434 = tpu.memref_slice %arg3[%dma_start3A_432, %dma_start3A_433] : memref<1000000x64xf32, #tpu.memory_space<hbm>> -> memref<1000000x64xf32, #tpu.memory_space<hbm>>
        %dma_start3A_435 = tpu.memref_slice %arg7[%dma_start3A_424] : memref<2x!tpu.dma_semaphore, #tpu.memory_space<semaphore_mem>> -> memref<1x!tpu.dma_semaphore, #tpu.memory_space<semaphore_mem>>
        %dma_start3A_436 = tpu.memref_squeeze %dma_start3A_435 : memref<1x!tpu.dma_semaphore, #tpu.memory_space<semaphore_mem>> -> memref<!tpu.dma_semaphore, #tpu.memory_space<semaphore_mem>>
        tpu.enqueue_indirect_dma source(%dma_start3A_434 : memref<1000000x64xf32, #tpu.memory_space<hbm>>) target(%dma_start3A_428 : memref<128x64xf32, #tpu.memory_space<vmem>>) offsets(%dma_start3A_431 : memref<128xi32, #tpu.memory_space<vmem>>) semaphore(%dma_start3A_436 : memref<!tpu.dma_semaphore, #tpu.memory_space<semaphore_mem>>)
      } else {
      }
      %mul3A_113 = arith.constant 5 : i32
      %mul3A_114 = arith.muli %add3A_104, %mul3A_113 : i32
      %add3A_115 = arith.constant 0 : i32
      %add3A_116 = arith.addi %mul3A_114, %add3A_115 : i32
      %dma_wait3A_117 = arith.constant 0 : i32
      %dma_wait3A_118 = arith.constant 0 : i32
      %dma_wait3A_119 = arith.constant 0 : i32
      %dma_wait3A_120 = arith.constant 0 : i32
      %dma_wait3A_121 = tpu.memref_slice %arg6[%dma_wait3A_117, %dma_wait3A_119, %dma_wait3A_120] : memref<2x640x64xf32, #tpu.memory_space<vmem>> -> memref<1x128x64xf32, #tpu.memory_space<vmem>>
      %dma_wait3A_122 = tpu.memref_squeeze %dma_wait3A_121 : memref<1x128x64xf32, #tpu.memory_space<vmem>> -> memref<128x64xf32, #tpu.memory_space<vmem>>
      %dma_wait3A_123 = arith.constant 0 : i32
      %dma_wait3A_124 = tpu.memref_slice %arg5[%add3A_116, %dma_wait3A_123] : memref<200x128xi32, #tpu.memory_space<vmem>> -> memref<1x128xi32, #tpu.memory_space<vmem>>
      %dma_wait3A_125 = tpu.memref_squeeze %dma_wait3A_124 : memref<1x128xi32, #tpu.memory_space<vmem>> -> memref<128xi32, #tpu.memory_space<vmem>>
      %dma_wait3A_126 = arith.constant 0 : i32
      %dma_wait3A_127 = arith.constant 0 : i32
      %dma_wait3A_128 = tpu.memref_slice %arg3[%dma_wait3A_126, %dma_wait3A_127] : memref<1000000x64xf32, #tpu.memory_space<hbm>> -> memref<1000000x64xf32, #tpu.memory_space<hbm>>
      %dma_wait3A_129 = tpu.memref_slice %arg7[%dma_wait3A_118] : memref<2x!tpu.dma_semaphore, #tpu.memory_space<semaphore_mem>> -> memref<1x!tpu.dma_semaphore, #tpu.memory_space<semaphore_mem>>
      %dma_wait3A_130 = tpu.memref_squeeze %dma_wait3A_129 : memref<1x!tpu.dma_semaphore, #tpu.memory_space<semaphore_mem>> -> memref<!tpu.dma_semaphore, #tpu.memory_space<semaphore_mem>>
      tpu.wait_indirect_dma semaphore(%dma_wait3A_130 : memref<!tpu.dma_semaphore, #tpu.memory_space<semaphore_mem>>) src(%dma_wait3A_128 : memref<1000000x64xf32, #tpu.memory_space<hbm>>) dst(%dma_wait3A_122 : memref<128x64xf32, #tpu.memory_space<vmem>>)
      %mul3A_131 = arith.constant 5 : i32
      %mul3A_132 = arith.muli %add3A_104, %mul3A_131 : i32
      %add3A_133 = arith.constant 1 : i32
      %add3A_134 = arith.addi %mul3A_132, %add3A_133 : i32
      %dma_wait3A_135 = arith.constant 0 : i32
      %dma_wait3A_136 = arith.constant 0 : i32
      %dma_wait3A_137 = arith.constant 128 : i32
      %dma_wait3A_138 = arith.constant 0 : i32
      %dma_wait3A_139 = tpu.memref_slice %arg6[%dma_wait3A_135, %dma_wait3A_137, %dma_wait3A_138] : memref<2x640x64xf32, #tpu.memory_space<vmem>> -> memref<1x128x64xf32, #tpu.memory_space<vmem>>
      %dma_wait3A_140 = tpu.memref_squeeze %dma_wait3A_139 : memref<1x128x64xf32, #tpu.memory_space<vmem>> -> memref<128x64xf32, #tpu.memory_space<vmem>>
      %dma_wait3A_141 = arith.constant 0 : i32
      %dma_wait3A_142 = tpu.memref_slice %arg5[%add3A_134, %dma_wait3A_141] : memref<200x128xi32, #tpu.memory_space<vmem>> -> memref<1x128xi32, #tpu.memory_space<vmem>>
      %dma_wait3A_143 = tpu.memref_squeeze %dma_wait3A_142 : memref<1x128xi32, #tpu.memory_space<vmem>> -> memref<128xi32, #tpu.memory_space<vmem>>
      %dma_wait3A_144 = arith.constant 0 : i32
      %dma_wait3A_145 = arith.constant 0 : i32
      %dma_wait3A_146 = tpu.memref_slice %arg3[%dma_wait3A_144, %dma_wait3A_145] : memref<1000000x64xf32, #tpu.memory_space<hbm>> -> memref<1000000x64xf32, #tpu.memory_space<hbm>>
      %dma_wait3A_147 = tpu.memref_slice %arg7[%dma_wait3A_136] : memref<2x!tpu.dma_semaphore, #tpu.memory_space<semaphore_mem>> -> memref<1x!tpu.dma_semaphore, #tpu.memory_space<semaphore_mem>>
      %dma_wait3A_148 = tpu.memref_squeeze %dma_wait3A_147 : memref<1x!tpu.dma_semaphore, #tpu.memory_space<semaphore_mem>> -> memref<!tpu.dma_semaphore, #tpu.memory_space<semaphore_mem>>
      tpu.wait_indirect_dma semaphore(%dma_wait3A_148 : memref<!tpu.dma_semaphore, #tpu.memory_space<semaphore_mem>>) src(%dma_wait3A_146 : memref<1000000x64xf32, #tpu.memory_space<hbm>>) dst(%dma_wait3A_140 : memref<128x64xf32, #tpu.memory_space<vmem>>)
      %mul3A_149 = arith.constant 5 : i32
      %mul3A_150 = arith.muli %add3A_104, %mul3A_149 : i32
      %add3A_151 = arith.constant 2 : i32
      %add3A_152 = arith.addi %mul3A_150, %add3A_151 : i32
      %dma_wait3A_153 = arith.constant 0 : i32
      %dma_wait3A_154 = arith.constant 0 : i32
      %dma_wait3A_155 = arith.constant 256 : i32
      %dma_wait3A_156 = arith.constant 0 : i32
      %dma_wait3A_157 = tpu.memref_slice %arg6[%dma_wait3A_153, %dma_wait3A_155, %dma_wait3A_156] : memref<2x640x64xf32, #tpu.memory_space<vmem>> -> memref<1x128x64xf32, #tpu.memory_space<vmem>>
      %dma_wait3A_158 = tpu.memref_squeeze %dma_wait3A_157 : memref<1x128x64xf32, #tpu.memory_space<vmem>> -> memref<128x64xf32, #tpu.memory_space<vmem>>
      %dma_wait3A_159 = arith.constant 0 : i32
      %dma_wait3A_160 = tpu.memref_slice %arg5[%add3A_152, %dma_wait3A_159] : memref<200x128xi32, #tpu.memory_space<vmem>> -> memref<1x128xi32, #tpu.memory_space<vmem>>
      %dma_wait3A_161 = tpu.memref_squeeze %dma_wait3A_160 : memref<1x128xi32, #tpu.memory_space<vmem>> -> memref<128xi32, #tpu.memory_space<vmem>>
      %dma_wait3A_162 = arith.constant 0 : i32
      %dma_wait3A_163 = arith.constant 0 : i32
      %dma_wait3A_164 = tpu.memref_slice %arg3[%dma_wait3A_162, %dma_wait3A_163] : memref<1000000x64xf32, #tpu.memory_space<hbm>> -> memref<1000000x64xf32, #tpu.memory_space<hbm>>
      %dma_wait3A_165 = tpu.memref_slice %arg7[%dma_wait3A_154] : memref<2x!tpu.dma_semaphore, #tpu.memory_space<semaphore_mem>> -> memref<1x!tpu.dma_semaphore, #tpu.memory_space<semaphore_mem>>
      %dma_wait3A_166 = tpu.memref_squeeze %dma_wait3A_165 : memref<1x!tpu.dma_semaphore, #tpu.memory_space<semaphore_mem>> -> memref<!tpu.dma_semaphore, #tpu.memory_space<semaphore_mem>>
      tpu.wait_indirect_dma semaphore(%dma_wait3A_166 : memref<!tpu.dma_semaphore, #tpu.memory_space<semaphore_mem>>) src(%dma_wait3A_164 : memref<1000000x64xf32, #tpu.memory_space<hbm>>) dst(%dma_wait3A_158 : memref<128x64xf32, #tpu.memory_space<vmem>>)
      %mul3A_167 = arith.constant 5 : i32
      %mul3A_168 = arith.muli %add3A_104, %mul3A_167 : i32
      %add3A_169 = arith.constant 3 : i32
      %add3A_170 = arith.addi %mul3A_168, %add3A_169 : i32
      %dma_wait3A_171 = arith.constant 0 : i32
      %dma_wait3A_172 = arith.constant 0 : i32
      %dma_wait3A_173 = arith.constant 384 : i32
      %dma_wait3A_174 = arith.constant 0 : i32
      %dma_wait3A_175 = tpu.memref_slice %arg6[%dma_wait3A_171, %dma_wait3A_173, %dma_wait3A_174] : memref<2x640x64xf32, #tpu.memory_space<vmem>> -> memref<1x128x64xf32, #tpu.memory_space<vmem>>
      %dma_wait3A_176 = tpu.memref_squeeze %dma_wait3A_175 : memref<1x128x64xf32, #tpu.memory_space<vmem>> -> memref<128x64xf32, #tpu.memory_space<vmem>>
      %dma_wait3A_177 = arith.constant 0 : i32
      %dma_wait3A_178 = tpu.memref_slice %arg5[%add3A_170, %dma_wait3A_177] : memref<200x128xi32, #tpu.memory_space<vmem>> -> memref<1x128xi32, #tpu.memory_space<vmem>>
      %dma_wait3A_179 = tpu.memref_squeeze %dma_wait3A_178 : memref<1x128xi32, #tpu.memory_space<vmem>> -> memref<128xi32, #tpu.memory_space<vmem>>
      %dma_wait3A_180 = arith.constant 0 : i32
      %dma_wait3A_181 = arith.constant 0 : i32
      %dma_wait3A_182 = tpu.memref_slice %arg3[%dma_wait3A_180, %dma_wait3A_181] : memref<1000000x64xf32, #tpu.memory_space<hbm>> -> memref<1000000x64xf32, #tpu.memory_space<hbm>>
      %dma_wait3A_183 = tpu.memref_slice %arg7[%dma_wait3A_172] : memref<2x!tpu.dma_semaphore, #tpu.memory_space<semaphore_mem>> -> memref<1x!tpu.dma_semaphore, #tpu.memory_space<semaphore_mem>>
      %dma_wait3A_184 = tpu.memref_squeeze %dma_wait3A_183 : memref<1x!tpu.dma_semaphore, #tpu.memory_space<semaphore_mem>> -> memref<!tpu.dma_semaphore, #tpu.memory_space<semaphore_mem>>
      tpu.wait_indirect_dma semaphore(%dma_wait3A_184 : memref<!tpu.dma_semaphore, #tpu.memory_space<semaphore_mem>>) src(%dma_wait3A_182 : memref<1000000x64xf32, #tpu.memory_space<hbm>>) dst(%dma_wait3A_176 : memref<128x64xf32, #tpu.memory_space<vmem>>)
      %mul3A_185 = arith.constant 5 : i32
      %mul3A_186 = arith.muli %add3A_104, %mul3A_185 : i32
      %add3A_187 = arith.constant 4 : i32
      %add3A_188 = arith.addi %mul3A_186, %add3A_187 : i32
      %dma_wait3A_189 = arith.constant 0 : i32
      %dma_wait3A_190 = arith.constant 0 : i32
      %dma_wait3A_191 = arith.constant 512 : i32
      %dma_wait3A_192 = arith.constant 0 : i32
      %dma_wait3A_193 = tpu.memref_slice %arg6[%dma_wait3A_189, %dma_wait3A_191, %dma_wait3A_192] : memref<2x640x64xf32, #tpu.memory_space<vmem>> -> memref<1x128x64xf32, #tpu.memory_space<vmem>>
      %dma_wait3A_194 = tpu.memref_squeeze %dma_wait3A_193 : memref<1x128x64xf32, #tpu.memory_space<vmem>> -> memref<128x64xf32, #tpu.memory_space<vmem>>
      %dma_wait3A_195 = arith.constant 0 : i32
      %dma_wait3A_196 = tpu.memref_slice %arg5[%add3A_188, %dma_wait3A_195] : memref<200x128xi32, #tpu.memory_space<vmem>> -> memref<1x128xi32, #tpu.memory_space<vmem>>
      %dma_wait3A_197 = tpu.memref_squeeze %dma_wait3A_196 : memref<1x128xi32, #tpu.memory_space<vmem>> -> memref<128xi32, #tpu.memory_space<vmem>>
      %dma_wait3A_198 = arith.constant 0 : i32
      %dma_wait3A_199 = arith.constant 0 : i32
      %dma_wait3A_200 = tpu.memref_slice %arg3[%dma_wait3A_198, %dma_wait3A_199] : memref<1000000x64xf32, #tpu.memory_space<hbm>> -> memref<1000000x64xf32, #tpu.memory_space<hbm>>
      %dma_wait3A_201 = tpu.memref_slice %arg7[%dma_wait3A_190] : memref<2x!tpu.dma_semaphore, #tpu.memory_space<semaphore_mem>> -> memref<1x!tpu.dma_semaphore, #tpu.memory_space<semaphore_mem>>
      %dma_wait3A_202 = tpu.memref_squeeze %dma_wait3A_201 : memref<1x!tpu.dma_semaphore, #tpu.memory_space<semaphore_mem>> -> memref<!tpu.dma_semaphore, #tpu.memory_space<semaphore_mem>>
      tpu.wait_indirect_dma semaphore(%dma_wait3A_202 : memref<!tpu.dma_semaphore, #tpu.memory_space<semaphore_mem>>) src(%dma_wait3A_200 : memref<1000000x64xf32, #tpu.memory_space<hbm>>) dst(%dma_wait3A_194 : memref<128x64xf32, #tpu.memory_space<vmem>>)
      %mul3A_203 = arith.constant 640 : i32
      %mul3A_204 = arith.muli %add3A_104, %mul3A_203 : i32
      %add3A_205 = arith.addi %mul3A_2, %mul3A_204 : i32
      %dma_start3A_206 = arith.constant 0 : i32
      %dma_start3A_207 = arith.constant 0 : i32
      %dma_start3A_208 = arith.constant 0 : i32
      %dma_start3A_209 = arith.constant 0 : i32
      %dma_start3A_210 = tpu.memref_slice %arg6[%dma_start3A_206, %dma_start3A_208, %dma_start3A_209] : memref<2x640x64xf32, #tpu.memory_space<vmem>> -> memref<1x640x64xf32, #tpu.memory_space<vmem>>
      %dma_start3A_211 = tpu.memref_squeeze %dma_start3A_210 : memref<1x640x64xf32, #tpu.memory_space<vmem>> -> memref<640x64xf32, #tpu.memory_space<vmem>>
      %dma_start3A_212 = arith.constant 0 : i32
      %dma_start3A_213 = tpu.memref_slice %arg4[%add3A_205, %dma_start3A_212] : memref<819200x64xf32, #tpu.memory_space<hbm>> -> memref<640x64xf32, #tpu.memory_space<hbm>>
      %dma_start3A_214 = tpu.memref_slice %arg8[%dma_start3A_207] : memref<2x!tpu.dma_semaphore, #tpu.memory_space<semaphore_mem>> -> memref<1x!tpu.dma_semaphore, #tpu.memory_space<semaphore_mem>>
      %dma_start3A_215 = tpu.memref_squeeze %dma_start3A_214 : memref<1x!tpu.dma_semaphore, #tpu.memory_space<semaphore_mem>> -> memref<!tpu.dma_semaphore, #tpu.memory_space<semaphore_mem>>
      %dma_start3A_216 = arith.constant 0 : i32
      %dma_start3A_217 = tpu.memref_slice %arg4[%add3A_205, %dma_start3A_216] : memref<819200x64xf32, #tpu.memory_space<hbm>> -> memref<640x64xf32, #tpu.memory_space<hbm>>
      %dma_start3A_218 = arith.constant 0 : i32
      %dma_start3A_219 = arith.constant 0 : i32
      %dma_start3A_220 = tpu.memref_slice %arg6[%dma_start3A_206, %dma_start3A_218, %dma_start3A_219] : memref<2x640x64xf32, #tpu.memory_space<vmem>> -> memref<1x640x64xf32, #tpu.memory_space<vmem>>
      %dma_start3A_221 = tpu.memref_squeeze %dma_start3A_220 : memref<1x640x64xf32, #tpu.memory_space<vmem>> -> memref<640x64xf32, #tpu.memory_space<vmem>>
      tpu.enqueue_dma source(%dma_start3A_221 : memref<640x64xf32, #tpu.memory_space<vmem>>) target(%dma_start3A_217 : memref<640x64xf32, #tpu.memory_space<hbm>>) target_semaphore(%dma_start3A_215 : memref<!tpu.dma_semaphore, #tpu.memory_space<semaphore_mem>>)
      %add3A_222 = arith.constant 1 : i32
      %add3A_223 = arith.addi %add3A_102, %add3A_222 : i32
      %ge3A_224 = arith.constant 1 : i32
      %ge3A_225 = arith.cmpi sge, %add3A_223, %ge3A_224 : i32
      %convert_element_type3A_226 = arith.extui %ge3A_225 : i1 to i32
      %cond3A_227 = arith.constant 0 : i32
      %cond3A_228 = arith.cmpi ne, %convert_element_type3A_226, %cond3A_227 : i32
      scf.if %cond3A_228 {
        %sub3A = arith.constant 1 : i32
        %sub3A_345 = arith.subi %add3A_223, %sub3A : i32
        %mul3A_346 = arith.constant 640 : i32
        %mul3A_347 = arith.muli %sub3A_345, %mul3A_346 : i32
        %add3A_348 = arith.addi %mul3A_2, %mul3A_347 : i32
        %dma_wait3A_349 = arith.constant 0 : i32
        %dma_wait3A_350 = arith.constant 0 : i32
        %dma_wait3A_351 = arith.constant 0 : i32
        %dma_wait3A_352 = arith.constant 0 : i32
        %dma_wait3A_353 = tpu.memref_slice %arg6[%dma_wait3A_349, %dma_wait3A_351, %dma_wait3A_352] : memref<2x640x64xf32, #tpu.memory_space<vmem>> -> memref<1x640x64xf32, #tpu.memory_space<vmem>>
        %dma_wait3A_354 = tpu.memref_squeeze %dma_wait3A_353 : memref<1x640x64xf32, #tpu.memory_space<vmem>> -> memref<640x64xf32, #tpu.memory_space<vmem>>
        %dma_wait3A_355 = arith.constant 0 : i32
        %dma_wait3A_356 = tpu.memref_slice %arg4[%add3A_348, %dma_wait3A_355] : memref<819200x64xf32, #tpu.memory_space<hbm>> -> memref<640x64xf32, #tpu.memory_space<hbm>>
        %dma_wait3A_357 = tpu.memref_slice %arg8[%dma_wait3A_350] : memref<2x!tpu.dma_semaphore, #tpu.memory_space<semaphore_mem>> -> memref<1x!tpu.dma_semaphore, #tpu.memory_space<semaphore_mem>>
        %dma_wait3A_358 = tpu.memref_squeeze %dma_wait3A_357 : memref<1x!tpu.dma_semaphore, #tpu.memory_space<semaphore_mem>> -> memref<!tpu.dma_semaphore, #tpu.memory_space<semaphore_mem>>
        %dma_wait3A_359 = arith.constant 0 : i32
        %dma_wait3A_360 = tpu.memref_slice %arg4[%add3A_348, %dma_wait3A_359] : memref<819200x64xf32, #tpu.memory_space<hbm>> -> memref<640x64xf32, #tpu.memory_space<hbm>>
        %dma_wait3A_361 = arith.constant 0 : i32
        %dma_wait3A_362 = arith.constant 0 : i32
        %dma_wait3A_363 = tpu.memref_slice %arg6[%dma_wait3A_349, %dma_wait3A_361, %dma_wait3A_362] : memref<2x640x64xf32, #tpu.memory_space<vmem>> -> memref<1x640x64xf32, #tpu.memory_space<vmem>>
        %dma_wait3A_364 = tpu.memref_squeeze %dma_wait3A_363 : memref<1x640x64xf32, #tpu.memory_space<vmem>> -> memref<640x64xf32, #tpu.memory_space<vmem>>
        tpu.wait_dma2 semaphore(%dma_wait3A_358 : memref<!tpu.dma_semaphore, #tpu.memory_space<semaphore_mem>>) src(%dma_wait3A_364 : memref<640x64xf32, #tpu.memory_space<vmem>>) dst(%dma_wait3A_360 : memref<640x64xf32, #tpu.memory_space<hbm>>)
      } else {
      }
      %add3A_229 = arith.constant 1 : i32
      %add3A_230 = arith.addi %add3A_223, %add3A_229 : i32
      %lt3A_231 = arith.constant 40 : i32
      %lt3A_232 = arith.cmpi slt, %add3A_230, %lt3A_231 : i32
      %convert_element_type3A_233 = arith.extui %lt3A_232 : i1 to i32
      %cond3A_234 = arith.constant 0 : i32
      %cond3A_235 = arith.cmpi ne, %convert_element_type3A_233, %cond3A_234 : i32
      scf.if %cond3A_235 {
        %add3A_345 = arith.constant 1 : i32
        %add3A_346 = arith.addi %add3A_223, %add3A_345 : i32
        %mul3A_347 = arith.constant 5 : i32
        %mul3A_348 = arith.muli %add3A_346, %mul3A_347 : i32
        %add3A_349 = arith.constant 0 : i32
        %add3A_350 = arith.addi %mul3A_348, %add3A_349 : i32
        %dma_start3A_351 = arith.constant 0 : i32
        %dma_start3A_352 = arith.constant 0 : i32
        %dma_start3A_353 = arith.constant 0 : i32
        %dma_start3A_354 = arith.constant 0 : i32
        %dma_start3A_355 = tpu.memref_slice %arg6[%dma_start3A_351, %dma_start3A_353, %dma_start3A_354] : memref<2x640x64xf32, #tpu.memory_space<vmem>> -> memref<1x128x64xf32, #tpu.memory_space<vmem>>
        %dma_start3A_356 = tpu.memref_squeeze %dma_start3A_355 : memref<1x128x64xf32, #tpu.memory_space<vmem>> -> memref<128x64xf32, #tpu.memory_space<vmem>>
        %dma_start3A_357 = arith.constant 0 : i32
        %dma_start3A_358 = tpu.memref_slice %arg5[%add3A_350, %dma_start3A_357] : memref<200x128xi32, #tpu.memory_space<vmem>> -> memref<1x128xi32, #tpu.memory_space<vmem>>
        %dma_start3A_359 = tpu.memref_squeeze %dma_start3A_358 : memref<1x128xi32, #tpu.memory_space<vmem>> -> memref<128xi32, #tpu.memory_space<vmem>>
        %dma_start3A_360 = arith.constant 0 : i32
        %dma_start3A_361 = arith.constant 0 : i32
        %dma_start3A_362 = tpu.memref_slice %arg3[%dma_start3A_360, %dma_start3A_361] : memref<1000000x64xf32, #tpu.memory_space<hbm>> -> memref<1000000x64xf32, #tpu.memory_space<hbm>>
        %dma_start3A_363 = tpu.memref_slice %arg7[%dma_start3A_352] : memref<2x!tpu.dma_semaphore, #tpu.memory_space<semaphore_mem>> -> memref<1x!tpu.dma_semaphore, #tpu.memory_space<semaphore_mem>>
        %dma_start3A_364 = tpu.memref_squeeze %dma_start3A_363 : memref<1x!tpu.dma_semaphore, #tpu.memory_space<semaphore_mem>> -> memref<!tpu.dma_semaphore, #tpu.memory_space<semaphore_mem>>
        tpu.enqueue_indirect_dma source(%dma_start3A_362 : memref<1000000x64xf32, #tpu.memory_space<hbm>>) target(%dma_start3A_356 : memref<128x64xf32, #tpu.memory_space<vmem>>) offsets(%dma_start3A_359 : memref<128xi32, #tpu.memory_space<vmem>>) semaphore(%dma_start3A_364 : memref<!tpu.dma_semaphore, #tpu.memory_space<semaphore_mem>>)
        %mul3A_365 = arith.constant 5 : i32
        %mul3A_366 = arith.muli %add3A_346, %mul3A_365 : i32
        %add3A_367 = arith.constant 1 : i32
        %add3A_368 = arith.addi %mul3A_366, %add3A_367 : i32
        %dma_start3A_369 = arith.constant 0 : i32
        %dma_start3A_370 = arith.constant 0 : i32
        %dma_start3A_371 = arith.constant 128 : i32
        %dma_start3A_372 = arith.constant 0 : i32
        %dma_start3A_373 = tpu.memref_slice %arg6[%dma_start3A_369, %dma_start3A_371, %dma_start3A_372] : memref<2x640x64xf32, #tpu.memory_space<vmem>> -> memref<1x128x64xf32, #tpu.memory_space<vmem>>
        %dma_start3A_374 = tpu.memref_squeeze %dma_start3A_373 : memref<1x128x64xf32, #tpu.memory_space<vmem>> -> memref<128x64xf32, #tpu.memory_space<vmem>>
        %dma_start3A_375 = arith.constant 0 : i32
        %dma_start3A_376 = tpu.memref_slice %arg5[%add3A_368, %dma_start3A_375] : memref<200x128xi32, #tpu.memory_space<vmem>> -> memref<1x128xi32, #tpu.memory_space<vmem>>
        %dma_start3A_377 = tpu.memref_squeeze %dma_start3A_376 : memref<1x128xi32, #tpu.memory_space<vmem>> -> memref<128xi32, #tpu.memory_space<vmem>>
        %dma_start3A_378 = arith.constant 0 : i32
        %dma_start3A_379 = arith.constant 0 : i32
        %dma_start3A_380 = tpu.memref_slice %arg3[%dma_start3A_378, %dma_start3A_379] : memref<1000000x64xf32, #tpu.memory_space<hbm>> -> memref<1000000x64xf32, #tpu.memory_space<hbm>>
        %dma_start3A_381 = tpu.memref_slice %arg7[%dma_start3A_370] : memref<2x!tpu.dma_semaphore, #tpu.memory_space<semaphore_mem>> -> memref<1x!tpu.dma_semaphore, #tpu.memory_space<semaphore_mem>>
        %dma_start3A_382 = tpu.memref_squeeze %dma_start3A_381 : memref<1x!tpu.dma_semaphore, #tpu.memory_space<semaphore_mem>> -> memref<!tpu.dma_semaphore, #tpu.memory_space<semaphore_mem>>
        tpu.enqueue_indirect_dma source(%dma_start3A_380 : memref<1000000x64xf32, #tpu.memory_space<hbm>>) target(%dma_start3A_374 : memref<128x64xf32, #tpu.memory_space<vmem>>) offsets(%dma_start3A_377 : memref<128xi32, #tpu.memory_space<vmem>>) semaphore(%dma_start3A_382 : memref<!tpu.dma_semaphore, #tpu.memory_space<semaphore_mem>>)
        %mul3A_383 = arith.constant 5 : i32
        %mul3A_384 = arith.muli %add3A_346, %mul3A_383 : i32
        %add3A_385 = arith.constant 2 : i32
        %add3A_386 = arith.addi %mul3A_384, %add3A_385 : i32
        %dma_start3A_387 = arith.constant 0 : i32
        %dma_start3A_388 = arith.constant 0 : i32
        %dma_start3A_389 = arith.constant 256 : i32
        %dma_start3A_390 = arith.constant 0 : i32
        %dma_start3A_391 = tpu.memref_slice %arg6[%dma_start3A_387, %dma_start3A_389, %dma_start3A_390] : memref<2x640x64xf32, #tpu.memory_space<vmem>> -> memref<1x128x64xf32, #tpu.memory_space<vmem>>
        %dma_start3A_392 = tpu.memref_squeeze %dma_start3A_391 : memref<1x128x64xf32, #tpu.memory_space<vmem>> -> memref<128x64xf32, #tpu.memory_space<vmem>>
        %dma_start3A_393 = arith.constant 0 : i32
        %dma_start3A_394 = tpu.memref_slice %arg5[%add3A_386, %dma_start3A_393] : memref<200x128xi32, #tpu.memory_space<vmem>> -> memref<1x128xi32, #tpu.memory_space<vmem>>
        %dma_start3A_395 = tpu.memref_squeeze %dma_start3A_394 : memref<1x128xi32, #tpu.memory_space<vmem>> -> memref<128xi32, #tpu.memory_space<vmem>>
        %dma_start3A_396 = arith.constant 0 : i32
        %dma_start3A_397 = arith.constant 0 : i32
        %dma_start3A_398 = tpu.memref_slice %arg3[%dma_start3A_396, %dma_start3A_397] : memref<1000000x64xf32, #tpu.memory_space<hbm>> -> memref<1000000x64xf32, #tpu.memory_space<hbm>>
        %dma_start3A_399 = tpu.memref_slice %arg7[%dma_start3A_388] : memref<2x!tpu.dma_semaphore, #tpu.memory_space<semaphore_mem>> -> memref<1x!tpu.dma_semaphore, #tpu.memory_space<semaphore_mem>>
        %dma_start3A_400 = tpu.memref_squeeze %dma_start3A_399 : memref<1x!tpu.dma_semaphore, #tpu.memory_space<semaphore_mem>> -> memref<!tpu.dma_semaphore, #tpu.memory_space<semaphore_mem>>
        tpu.enqueue_indirect_dma source(%dma_start3A_398 : memref<1000000x64xf32, #tpu.memory_space<hbm>>) target(%dma_start3A_392 : memref<128x64xf32, #tpu.memory_space<vmem>>) offsets(%dma_start3A_395 : memref<128xi32, #tpu.memory_space<vmem>>) semaphore(%dma_start3A_400 : memref<!tpu.dma_semaphore, #tpu.memory_space<semaphore_mem>>)
        %mul3A_401 = arith.constant 5 : i32
        %mul3A_402 = arith.muli %add3A_346, %mul3A_401 : i32
        %add3A_403 = arith.constant 3 : i32
        %add3A_404 = arith.addi %mul3A_402, %add3A_403 : i32
        %dma_start3A_405 = arith.constant 0 : i32
        %dma_start3A_406 = arith.constant 0 : i32
        %dma_start3A_407 = arith.constant 384 : i32
        %dma_start3A_408 = arith.constant 0 : i32
        %dma_start3A_409 = tpu.memref_slice %arg6[%dma_start3A_405, %dma_start3A_407, %dma_start3A_408] : memref<2x640x64xf32, #tpu.memory_space<vmem>> -> memref<1x128x64xf32, #tpu.memory_space<vmem>>
        %dma_start3A_410 = tpu.memref_squeeze %dma_start3A_409 : memref<1x128x64xf32, #tpu.memory_space<vmem>> -> memref<128x64xf32, #tpu.memory_space<vmem>>
        %dma_start3A_411 = arith.constant 0 : i32
        %dma_start3A_412 = tpu.memref_slice %arg5[%add3A_404, %dma_start3A_411] : memref<200x128xi32, #tpu.memory_space<vmem>> -> memref<1x128xi32, #tpu.memory_space<vmem>>
        %dma_start3A_413 = tpu.memref_squeeze %dma_start3A_412 : memref<1x128xi32, #tpu.memory_space<vmem>> -> memref<128xi32, #tpu.memory_space<vmem>>
        %dma_start3A_414 = arith.constant 0 : i32
        %dma_start3A_415 = arith.constant 0 : i32
        %dma_start3A_416 = tpu.memref_slice %arg3[%dma_start3A_414, %dma_start3A_415] : memref<1000000x64xf32, #tpu.memory_space<hbm>> -> memref<1000000x64xf32, #tpu.memory_space<hbm>>
        %dma_start3A_417 = tpu.memref_slice %arg7[%dma_start3A_406] : memref<2x!tpu.dma_semaphore, #tpu.memory_space<semaphore_mem>> -> memref<1x!tpu.dma_semaphore, #tpu.memory_space<semaphore_mem>>
        %dma_start3A_418 = tpu.memref_squeeze %dma_start3A_417 : memref<1x!tpu.dma_semaphore, #tpu.memory_space<semaphore_mem>> -> memref<!tpu.dma_semaphore, #tpu.memory_space<semaphore_mem>>
        tpu.enqueue_indirect_dma source(%dma_start3A_416 : memref<1000000x64xf32, #tpu.memory_space<hbm>>) target(%dma_start3A_410 : memref<128x64xf32, #tpu.memory_space<vmem>>) offsets(%dma_start3A_413 : memref<128xi32, #tpu.memory_space<vmem>>) semaphore(%dma_start3A_418 : memref<!tpu.dma_semaphore, #tpu.memory_space<semaphore_mem>>)
        %mul3A_419 = arith.constant 5 : i32
        %mul3A_420 = arith.muli %add3A_346, %mul3A_419 : i32
        %add3A_421 = arith.constant 4 : i32
        %add3A_422 = arith.addi %mul3A_420, %add3A_421 : i32
        %dma_start3A_423 = arith.constant 0 : i32
        %dma_start3A_424 = arith.constant 0 : i32
        %dma_start3A_425 = arith.constant 512 : i32
        %dma_start3A_426 = arith.constant 0 : i32
        %dma_start3A_427 = tpu.memref_slice %arg6[%dma_start3A_423, %dma_start3A_425, %dma_start3A_426] : memref<2x640x64xf32, #tpu.memory_space<vmem>> -> memref<1x128x64xf32, #tpu.memory_space<vmem>>
        %dma_start3A_428 = tpu.memref_squeeze %dma_start3A_427 : memref<1x128x64xf32, #tpu.memory_space<vmem>> -> memref<128x64xf32, #tpu.memory_space<vmem>>
        %dma_start3A_429 = arith.constant 0 : i32
        %dma_start3A_430 = tpu.memref_slice %arg5[%add3A_422, %dma_start3A_429] : memref<200x128xi32, #tpu.memory_space<vmem>> -> memref<1x128xi32, #tpu.memory_space<vmem>>
        %dma_start3A_431 = tpu.memref_squeeze %dma_start3A_430 : memref<1x128xi32, #tpu.memory_space<vmem>> -> memref<128xi32, #tpu.memory_space<vmem>>
        %dma_start3A_432 = arith.constant 0 : i32
        %dma_start3A_433 = arith.constant 0 : i32
        %dma_start3A_434 = tpu.memref_slice %arg3[%dma_start3A_432, %dma_start3A_433] : memref<1000000x64xf32, #tpu.memory_space<hbm>> -> memref<1000000x64xf32, #tpu.memory_space<hbm>>
        %dma_start3A_435 = tpu.memref_slice %arg7[%dma_start3A_424] : memref<2x!tpu.dma_semaphore, #tpu.memory_space<semaphore_mem>> -> memref<1x!tpu.dma_semaphore, #tpu.memory_space<semaphore_mem>>
        %dma_start3A_436 = tpu.memref_squeeze %dma_start3A_435 : memref<1x!tpu.dma_semaphore, #tpu.memory_space<semaphore_mem>> -> memref<!tpu.dma_semaphore, #tpu.memory_space<semaphore_mem>>
        tpu.enqueue_indirect_dma source(%dma_start3A_434 : memref<1000000x64xf32, #tpu.memory_space<hbm>>) target(%dma_start3A_428 : memref<128x64xf32, #tpu.memory_space<vmem>>) offsets(%dma_start3A_431 : memref<128xi32, #tpu.memory_space<vmem>>) semaphore(%dma_start3A_436 : memref<!tpu.dma_semaphore, #tpu.memory_space<semaphore_mem>>)
      } else {
      }
      %mul3A_236 = arith.constant 5 : i32
      %mul3A_237 = arith.muli %add3A_223, %mul3A_236 : i32
      %add3A_238 = arith.constant 0 : i32
      %add3A_239 = arith.addi %mul3A_237, %add3A_238 : i32
      %dma_wait3A_240 = arith.constant 1 : i32
      %dma_wait3A_241 = arith.constant 1 : i32
      %dma_wait3A_242 = arith.constant 0 : i32
      %dma_wait3A_243 = arith.constant 0 : i32
      %dma_wait3A_244 = tpu.memref_slice %arg6[%dma_wait3A_240, %dma_wait3A_242, %dma_wait3A_243] : memref<2x640x64xf32, #tpu.memory_space<vmem>> -> memref<1x128x64xf32, #tpu.memory_space<vmem>>
      %dma_wait3A_245 = tpu.memref_squeeze %dma_wait3A_244 : memref<1x128x64xf32, #tpu.memory_space<vmem>> -> memref<128x64xf32, #tpu.memory_space<vmem>>
      %dma_wait3A_246 = arith.constant 0 : i32
      %dma_wait3A_247 = tpu.memref_slice %arg5[%add3A_239, %dma_wait3A_246] : memref<200x128xi32, #tpu.memory_space<vmem>> -> memref<1x128xi32, #tpu.memory_space<vmem>>
      %dma_wait3A_248 = tpu.memref_squeeze %dma_wait3A_247 : memref<1x128xi32, #tpu.memory_space<vmem>> -> memref<128xi32, #tpu.memory_space<vmem>>
      %dma_wait3A_249 = arith.constant 0 : i32
      %dma_wait3A_250 = arith.constant 0 : i32
      %dma_wait3A_251 = tpu.memref_slice %arg3[%dma_wait3A_249, %dma_wait3A_250] : memref<1000000x64xf32, #tpu.memory_space<hbm>> -> memref<1000000x64xf32, #tpu.memory_space<hbm>>
      %dma_wait3A_252 = tpu.memref_slice %arg7[%dma_wait3A_241] : memref<2x!tpu.dma_semaphore, #tpu.memory_space<semaphore_mem>> -> memref<1x!tpu.dma_semaphore, #tpu.memory_space<semaphore_mem>>
      %dma_wait3A_253 = tpu.memref_squeeze %dma_wait3A_252 : memref<1x!tpu.dma_semaphore, #tpu.memory_space<semaphore_mem>> -> memref<!tpu.dma_semaphore, #tpu.memory_space<semaphore_mem>>
      tpu.wait_indirect_dma semaphore(%dma_wait3A_253 : memref<!tpu.dma_semaphore, #tpu.memory_space<semaphore_mem>>) src(%dma_wait3A_251 : memref<1000000x64xf32, #tpu.memory_space<hbm>>) dst(%dma_wait3A_245 : memref<128x64xf32, #tpu.memory_space<vmem>>)
      %mul3A_254 = arith.constant 5 : i32
      %mul3A_255 = arith.muli %add3A_223, %mul3A_254 : i32
      %add3A_256 = arith.constant 1 : i32
      %add3A_257 = arith.addi %mul3A_255, %add3A_256 : i32
      %dma_wait3A_258 = arith.constant 1 : i32
      %dma_wait3A_259 = arith.constant 1 : i32
      %dma_wait3A_260 = arith.constant 128 : i32
      %dma_wait3A_261 = arith.constant 0 : i32
      %dma_wait3A_262 = tpu.memref_slice %arg6[%dma_wait3A_258, %dma_wait3A_260, %dma_wait3A_261] : memref<2x640x64xf32, #tpu.memory_space<vmem>> -> memref<1x128x64xf32, #tpu.memory_space<vmem>>
      %dma_wait3A_263 = tpu.memref_squeeze %dma_wait3A_262 : memref<1x128x64xf32, #tpu.memory_space<vmem>> -> memref<128x64xf32, #tpu.memory_space<vmem>>
      %dma_wait3A_264 = arith.constant 0 : i32
      %dma_wait3A_265 = tpu.memref_slice %arg5[%add3A_257, %dma_wait3A_264] : memref<200x128xi32, #tpu.memory_space<vmem>> -> memref<1x128xi32, #tpu.memory_space<vmem>>
      %dma_wait3A_266 = tpu.memref_squeeze %dma_wait3A_265 : memref<1x128xi32, #tpu.memory_space<vmem>> -> memref<128xi32, #tpu.memory_space<vmem>>
      %dma_wait3A_267 = arith.constant 0 : i32
      %dma_wait3A_268 = arith.constant 0 : i32
      %dma_wait3A_269 = tpu.memref_slice %arg3[%dma_wait3A_267, %dma_wait3A_268] : memref<1000000x64xf32, #tpu.memory_space<hbm>> -> memref<1000000x64xf32, #tpu.memory_space<hbm>>
      %dma_wait3A_270 = tpu.memref_slice %arg7[%dma_wait3A_259] : memref<2x!tpu.dma_semaphore, #tpu.memory_space<semaphore_mem>> -> memref<1x!tpu.dma_semaphore, #tpu.memory_space<semaphore_mem>>
      %dma_wait3A_271 = tpu.memref_squeeze %dma_wait3A_270 : memref<1x!tpu.dma_semaphore, #tpu.memory_space<semaphore_mem>> -> memref<!tpu.dma_semaphore, #tpu.memory_space<semaphore_mem>>
      tpu.wait_indirect_dma semaphore(%dma_wait3A_271 : memref<!tpu.dma_semaphore, #tpu.memory_space<semaphore_mem>>) src(%dma_wait3A_269 : memref<1000000x64xf32, #tpu.memory_space<hbm>>) dst(%dma_wait3A_263 : memref<128x64xf32, #tpu.memory_space<vmem>>)
      %mul3A_272 = arith.constant 5 : i32
      %mul3A_273 = arith.muli %add3A_223, %mul3A_272 : i32
      %add3A_274 = arith.constant 2 : i32
      %add3A_275 = arith.addi %mul3A_273, %add3A_274 : i32
      %dma_wait3A_276 = arith.constant 1 : i32
      %dma_wait3A_277 = arith.constant 1 : i32
      %dma_wait3A_278 = arith.constant 256 : i32
      %dma_wait3A_279 = arith.constant 0 : i32
      %dma_wait3A_280 = tpu.memref_slice %arg6[%dma_wait3A_276, %dma_wait3A_278, %dma_wait3A_279] : memref<2x640x64xf32, #tpu.memory_space<vmem>> -> memref<1x128x64xf32, #tpu.memory_space<vmem>>
      %dma_wait3A_281 = tpu.memref_squeeze %dma_wait3A_280 : memref<1x128x64xf32, #tpu.memory_space<vmem>> -> memref<128x64xf32, #tpu.memory_space<vmem>>
      %dma_wait3A_282 = arith.constant 0 : i32
      %dma_wait3A_283 = tpu.memref_slice %arg5[%add3A_275, %dma_wait3A_282] : memref<200x128xi32, #tpu.memory_space<vmem>> -> memref<1x128xi32, #tpu.memory_space<vmem>>
      %dma_wait3A_284 = tpu.memref_squeeze %dma_wait3A_283 : memref<1x128xi32, #tpu.memory_space<vmem>> -> memref<128xi32, #tpu.memory_space<vmem>>
      %dma_wait3A_285 = arith.constant 0 : i32
      %dma_wait3A_286 = arith.constant 0 : i32
      %dma_wait3A_287 = tpu.memref_slice %arg3[%dma_wait3A_285, %dma_wait3A_286] : memref<1000000x64xf32, #tpu.memory_space<hbm>> -> memref<1000000x64xf32, #tpu.memory_space<hbm>>
      %dma_wait3A_288 = tpu.memref_slice %arg7[%dma_wait3A_277] : memref<2x!tpu.dma_semaphore, #tpu.memory_space<semaphore_mem>> -> memref<1x!tpu.dma_semaphore, #tpu.memory_space<semaphore_mem>>
      %dma_wait3A_289 = tpu.memref_squeeze %dma_wait3A_288 : memref<1x!tpu.dma_semaphore, #tpu.memory_space<semaphore_mem>> -> memref<!tpu.dma_semaphore, #tpu.memory_space<semaphore_mem>>
      tpu.wait_indirect_dma semaphore(%dma_wait3A_289 : memref<!tpu.dma_semaphore, #tpu.memory_space<semaphore_mem>>) src(%dma_wait3A_287 : memref<1000000x64xf32, #tpu.memory_space<hbm>>) dst(%dma_wait3A_281 : memref<128x64xf32, #tpu.memory_space<vmem>>)
      %mul3A_290 = arith.constant 5 : i32
      %mul3A_291 = arith.muli %add3A_223, %mul3A_290 : i32
      %add3A_292 = arith.constant 3 : i32
      %add3A_293 = arith.addi %mul3A_291, %add3A_292 : i32
      %dma_wait3A_294 = arith.constant 1 : i32
      %dma_wait3A_295 = arith.constant 1 : i32
      %dma_wait3A_296 = arith.constant 384 : i32
      %dma_wait3A_297 = arith.constant 0 : i32
      %dma_wait3A_298 = tpu.memref_slice %arg6[%dma_wait3A_294, %dma_wait3A_296, %dma_wait3A_297] : memref<2x640x64xf32, #tpu.memory_space<vmem>> -> memref<1x128x64xf32, #tpu.memory_space<vmem>>
      %dma_wait3A_299 = tpu.memref_squeeze %dma_wait3A_298 : memref<1x128x64xf32, #tpu.memory_space<vmem>> -> memref<128x64xf32, #tpu.memory_space<vmem>>
      %dma_wait3A_300 = arith.constant 0 : i32
      %dma_wait3A_301 = tpu.memref_slice %arg5[%add3A_293, %dma_wait3A_300] : memref<200x128xi32, #tpu.memory_space<vmem>> -> memref<1x128xi32, #tpu.memory_space<vmem>>
      %dma_wait3A_302 = tpu.memref_squeeze %dma_wait3A_301 : memref<1x128xi32, #tpu.memory_space<vmem>> -> memref<128xi32, #tpu.memory_space<vmem>>
      %dma_wait3A_303 = arith.constant 0 : i32
      %dma_wait3A_304 = arith.constant 0 : i32
      %dma_wait3A_305 = tpu.memref_slice %arg3[%dma_wait3A_303, %dma_wait3A_304] : memref<1000000x64xf32, #tpu.memory_space<hbm>> -> memref<1000000x64xf32, #tpu.memory_space<hbm>>
      %dma_wait3A_306 = tpu.memref_slice %arg7[%dma_wait3A_295] : memref<2x!tpu.dma_semaphore, #tpu.memory_space<semaphore_mem>> -> memref<1x!tpu.dma_semaphore, #tpu.memory_space<semaphore_mem>>
      %dma_wait3A_307 = tpu.memref_squeeze %dma_wait3A_306 : memref<1x!tpu.dma_semaphore, #tpu.memory_space<semaphore_mem>> -> memref<!tpu.dma_semaphore, #tpu.memory_space<semaphore_mem>>
      tpu.wait_indirect_dma semaphore(%dma_wait3A_307 : memref<!tpu.dma_semaphore, #tpu.memory_space<semaphore_mem>>) src(%dma_wait3A_305 : memref<1000000x64xf32, #tpu.memory_space<hbm>>) dst(%dma_wait3A_299 : memref<128x64xf32, #tpu.memory_space<vmem>>)
      %mul3A_308 = arith.constant 5 : i32
      %mul3A_309 = arith.muli %add3A_223, %mul3A_308 : i32
      %add3A_310 = arith.constant 4 : i32
      %add3A_311 = arith.addi %mul3A_309, %add3A_310 : i32
      %dma_wait3A_312 = arith.constant 1 : i32
      %dma_wait3A_313 = arith.constant 1 : i32
      %dma_wait3A_314 = arith.constant 512 : i32
      %dma_wait3A_315 = arith.constant 0 : i32
      %dma_wait3A_316 = tpu.memref_slice %arg6[%dma_wait3A_312, %dma_wait3A_314, %dma_wait3A_315] : memref<2x640x64xf32, #tpu.memory_space<vmem>> -> memref<1x128x64xf32, #tpu.memory_space<vmem>>
      %dma_wait3A_317 = tpu.memref_squeeze %dma_wait3A_316 : memref<1x128x64xf32, #tpu.memory_space<vmem>> -> memref<128x64xf32, #tpu.memory_space<vmem>>
      %dma_wait3A_318 = arith.constant 0 : i32
      %dma_wait3A_319 = tpu.memref_slice %arg5[%add3A_311, %dma_wait3A_318] : memref<200x128xi32, #tpu.memory_space<vmem>> -> memref<1x128xi32, #tpu.memory_space<vmem>>
      %dma_wait3A_320 = tpu.memref_squeeze %dma_wait3A_319 : memref<1x128xi32, #tpu.memory_space<vmem>> -> memref<128xi32, #tpu.memory_space<vmem>>
      %dma_wait3A_321 = arith.constant 0 : i32
      %dma_wait3A_322 = arith.constant 0 : i32
      %dma_wait3A_323 = tpu.memref_slice %arg3[%dma_wait3A_321, %dma_wait3A_322] : memref<1000000x64xf32, #tpu.memory_space<hbm>> -> memref<1000000x64xf32, #tpu.memory_space<hbm>>
      %dma_wait3A_324 = tpu.memref_slice %arg7[%dma_wait3A_313] : memref<2x!tpu.dma_semaphore, #tpu.memory_space<semaphore_mem>> -> memref<1x!tpu.dma_semaphore, #tpu.memory_space<semaphore_mem>>
      %dma_wait3A_325 = tpu.memref_squeeze %dma_wait3A_324 : memref<1x!tpu.dma_semaphore, #tpu.memory_space<semaphore_mem>> -> memref<!tpu.dma_semaphore, #tpu.memory_space<semaphore_mem>>
      tpu.wait_indirect_dma semaphore(%dma_wait3A_325 : memref<!tpu.dma_semaphore, #tpu.memory_space<semaphore_mem>>) src(%dma_wait3A_323 : memref<1000000x64xf32, #tpu.memory_space<hbm>>) dst(%dma_wait3A_317 : memref<128x64xf32, #tpu.memory_space<vmem>>)
      %mul3A_326 = arith.constant 640 : i32
      %mul3A_327 = arith.muli %add3A_223, %mul3A_326 : i32
      %add3A_328 = arith.addi %mul3A_2, %mul3A_327 : i32
      %dma_start3A_329 = arith.constant 1 : i32
      %dma_start3A_330 = arith.constant 1 : i32
      %dma_start3A_331 = arith.constant 0 : i32
      %dma_start3A_332 = arith.constant 0 : i32
      %dma_start3A_333 = tpu.memref_slice %arg6[%dma_start3A_329, %dma_start3A_331, %dma_start3A_332] : memref<2x640x64xf32, #tpu.memory_space<vmem>> -> memref<1x640x64xf32, #tpu.memory_space<vmem>>
      %dma_start3A_334 = tpu.memref_squeeze %dma_start3A_333 : memref<1x640x64xf32, #tpu.memory_space<vmem>> -> memref<640x64xf32, #tpu.memory_space<vmem>>
      %dma_start3A_335 = arith.constant 0 : i32
      %dma_start3A_336 = tpu.memref_slice %arg4[%add3A_328, %dma_start3A_335] : memref<819200x64xf32, #tpu.memory_space<hbm>> -> memref<640x64xf32, #tpu.memory_space<hbm>>
      %dma_start3A_337 = tpu.memref_slice %arg8[%dma_start3A_330] : memref<2x!tpu.dma_semaphore, #tpu.memory_space<semaphore_mem>> -> memref<1x!tpu.dma_semaphore, #tpu.memory_space<semaphore_mem>>
      %dma_start3A_338 = tpu.memref_squeeze %dma_start3A_337 : memref<1x!tpu.dma_semaphore, #tpu.memory_space<semaphore_mem>> -> memref<!tpu.dma_semaphore, #tpu.memory_space<semaphore_mem>>
      %dma_start3A_339 = arith.constant 0 : i32
      %dma_start3A_340 = tpu.memref_slice %arg4[%add3A_328, %dma_start3A_339] : memref<819200x64xf32, #tpu.memory_space<hbm>> -> memref<640x64xf32, #tpu.memory_space<hbm>>
      %dma_start3A_341 = arith.constant 0 : i32
      %dma_start3A_342 = arith.constant 0 : i32
      %dma_start3A_343 = tpu.memref_slice %arg6[%dma_start3A_329, %dma_start3A_341, %dma_start3A_342] : memref<2x640x64xf32, #tpu.memory_space<vmem>> -> memref<1x640x64xf32, #tpu.memory_space<vmem>>
      %dma_start3A_344 = tpu.memref_squeeze %dma_start3A_343 : memref<1x640x64xf32, #tpu.memory_space<vmem>> -> memref<640x64xf32, #tpu.memory_space<vmem>>
      tpu.enqueue_dma source(%dma_start3A_344 : memref<640x64xf32, #tpu.memory_space<vmem>>) target(%dma_start3A_340 : memref<640x64xf32, #tpu.memory_space<hbm>>) target_semaphore(%dma_start3A_338 : memref<!tpu.dma_semaphore, #tpu.memory_space<semaphore_mem>>)
    }
    %scan3A_80 = arith.constant 20 : i32
    %add3A_81 = arith.constant 24960 : i32
    %add3A_82 = arith.addi %mul3A_2, %add3A_81 : i32
    %dma_wait3A = arith.constant 1 : i32
    %dma_wait3A_83 = arith.constant 1 : i32
    %dma_wait3A_84 = arith.constant 0 : i32
    %dma_wait3A_85 = arith.constant 0 : i32
    %dma_wait3A_86 = tpu.memref_slice %arg6[%dma_wait3A, %dma_wait3A_84, %dma_wait3A_85] : memref<2x640x64xf32, #tpu.memory_space<vmem>> -> memref<1x640x64xf32, #tpu.memory_space<vmem>>
    %dma_wait3A_87 = tpu.memref_squeeze %dma_wait3A_86 : memref<1x640x64xf32, #tpu.memory_space<vmem>> -> memref<640x64xf32, #tpu.memory_space<vmem>>
    %dma_wait3A_88 = arith.constant 0 : i32
    %dma_wait3A_89 = tpu.memref_slice %arg4[%add3A_82, %dma_wait3A_88] : memref<819200x64xf32, #tpu.memory_space<hbm>> -> memref<640x64xf32, #tpu.memory_space<hbm>>
    %dma_wait3A_90 = tpu.memref_slice %arg8[%dma_wait3A_83] : memref<2x!tpu.dma_semaphore, #tpu.memory_space<semaphore_mem>> -> memref<1x!tpu.dma_semaphore, #tpu.memory_space<semaphore_mem>>
    %dma_wait3A_91 = tpu.memref_squeeze %dma_wait3A_90 : memref<1x!tpu.dma_semaphore, #tpu.memory_space<semaphore_mem>> -> memref<!tpu.dma_semaphore, #tpu.memory_space<semaphore_mem>>
    %dma_wait3A_92 = arith.constant 0 : i32
    %dma_wait3A_93 = tpu.memref_slice %arg4[%add3A_82, %dma_wait3A_92] : memref<819200x64xf32, #tpu.memory_space<hbm>> -> memref<640x64xf32, #tpu.memory_space<hbm>>
    %dma_wait3A_94 = arith.constant 0 : i32
    %dma_wait3A_95 = arith.constant 0 : i32
    %dma_wait3A_96 = tpu.memref_slice %arg6[%dma_wait3A, %dma_wait3A_94, %dma_wait3A_95] : memref<2x640x64xf32, #tpu.memory_space<vmem>> -> memref<1x640x64xf32, #tpu.memory_space<vmem>>
    %dma_wait3A_97 = tpu.memref_squeeze %dma_wait3A_96 : memref<1x640x64xf32, #tpu.memory_space<vmem>> -> memref<640x64xf32, #tpu.memory_space<vmem>>
    tpu.wait_dma2 semaphore(%dma_wait3A_91 : memref<!tpu.dma_semaphore, #tpu.memory_space<semaphore_mem>>) src(%dma_wait3A_97 : memref<640x64xf32, #tpu.memory_space<vmem>>) dst(%dma_wait3A_93 : memref<640x64xf32, #tpu.memory_space<hbm>>)
    return
  }
}

</mosaic_0001>

<sc_bundles>
// kernel: sc_embedding_gather.3.cloned.1.call-start
scs
__scs_entry_jumppad:
0x0: {  	(pc) =	sbr.rel $0x88, $3  }
0x1: {  	(tag) =	ssettag $0x0;
	lr =	simm.s32 $0x1  }
0x2: {  	[smem:$0x3F9F] =	sst lr;
	_ =	strace $0xD0000000  }
0x3: {  	_ = 	snop  }
0x4: {  	_ = 	snop  }
0x5: {  	_ = 	snop  }
0x6: {  	_ = 	snop  }
0x7: {  	_ = 	snop  }
__scs_overlays_trampoline_lowered:
0x8: {  	[smem:$0x3FAE] =	sst s0  }
0x9: {  	[smem:$0x3FAF] =	sst s1  }
0xa: {  	[smem:$0x3FB0] =	sst s2  }
0xb: {  	[smem:$0x3FB1] =	sst s3  }
0xc: {  	[smem:$0x3FB2] =	sst s4  }
0xd: {  	[smem:$0x3FB3] =	sst s5  }
0xe: {  	[smem:$0x3FB4] =	sst s6  }
0xf: {  	[smem:$0x3FB5] =	sst s7  }
0x10: {  	[smem:$0x3FB6] =	sst s8  }
0x11: {  	[smem:$0x3FB7] =	sst s9;
	s0 =	simm.s32 @!p0 $0x0  }
0x12: {  	s1 =	sld [smem:$0x3F9D];
	s0 =	simm.s32 @p0 $0x1  }
0x13: {  	[smem:$0x3FB8] =	sst s0;
	s0 =	simm.s32 @!p1 $0x0  }
0x14: {  	s2 =	sld [smem:$0x3F9C];
	s0 =	simm.s32 @p1 $0x1  }
0x15: {  	[smem:$0x3FB9] =	sst s0;
	s0 =	simm.s32 @!p2 $0x0  }
0x16: {  	s3 =	sld [smem:$0x3FDB];
	s0 =	simm.s32 @p2 $0x1  }
0x17: {  	s4 =	simm.s32 $0x1BF5;
	[smem:$0x3FBB] =	sst s0  }
0x18: {  	s0 =	sld [smem:$0x3F9E];
	_ =	swait.ge [sflag:s4], $0x0  }
0x19: {  	s7 =	sld [smem:$0x3F9F]  }
0x1a: {  	s8 =	sadd.s32 $0xFFFFE003, lr  }
0x1b: {  	s9 =	sadd.s32 $0xFFFFFEF7, lr;
	s5 =	simm.s32 $0xFFFFFFFF;
	p2 =	slt.u32 s8, $0xFFFFF086  }
0x1c: {  	p1 =	slt.u32 s9, $0xF7A;
	s5 =	simm.s32 @!p2 $0x0  }
0x1d: {  	s5 =	simm.s32 @p1 $0x1;
	p0 =	seq.s32 s7, s2  }
0x1e: {  	s7 =	smul.u32 @!p0 $0xF7A, s2;
	p2 =	seq.s32 @!p0 s5, $0x0  }
0x1f: {  	s9 =	smul.u32 $0xF7A, s1;
	s8 =	simm.s32 @!p0 $0x1BF5;
	p2 =	por !p2, p0  }
0x20: {  	[sflag:s8] =	ssyncset.s32 @!p0 $0xFFFFF086;
	s6 =	sadd.s32 @!p0 s3, s7;
	s7 =	simm.s32 @!p0 $0x108  }
0x21: {  	s3 =	sadd.s32 s3, s9;
	s6 =	sadd.s32 @!p0 $0x88, s6;
	s7 =	simm.s32 @p2 $0x1082  }
0x22: {  	[simem:s7], [sflag:s8] =	dma.local @!p0 [hbm:s6], $0xF7A  }
0x23: {  	s9 =	sor.u32 $0xD0000000, s2;
	s6 =	simm.s32 $0x108;
	_ =	swait.ge @!p0 [sflag:s8], $0x0  }
0x24: {  	s3 =	sadd.s32 $0x88, s3;
	s6 =	simm.s32 @!p1 $0x1082;
	[sflag:s4] =	ssyncset.s32 $0xFFFFF086  }
0x25: {  	[simem:s6], [sflag:s4] =	dma.local [hbm:s3], $0xF7A  }
0x26: {  	[smem:$0x3F9F] =	sst s1;
	(tag) =	ssettag s2;
	_ =	strace s9  }
0x27: {  	s1 =	sld [smem:$0x3FAF]  }
0x28: {  	s2 =	sld [smem:$0x3FB0]  }
0x29: {  	s4 =	sld [smem:$0x3FB2]  }
0x2a: {  	p0 =	seq.s32 s5, $0x0;
	s5 =	sld [smem:$0x3FB3]  }
0x2b: {  	s6 =	sld [smem:$0x3FB4]  }
0x2c: {  	s7 =	sld [smem:$0x3FB5]  }
0x2d: {  	s3 =	simm.s32 $0x108;
	s8 =	sld [smem:$0x3FB6]  }
0x2e: {  	s3 =	simm.s32 @!p0 $0x1082;
	s9 =	sld [smem:$0x3FB7]  }
0x2f: {  	lr =	sadd.s32 s0, s3;
	s0 =	sld [smem:$0x3FAE]  }
0x30: {  	s3 =	sld [smem:$0x3FB1]  }
0x31: {  	[smem:$0x3FBA] =	sst s10  }
0x32: {  	s10 =	sld [smem:$0x3FB8];
	_ =	sdelay $0x3  }
0x33: {  	p0 =	seq.s32 s10, $0x1;
	s10 =	sld [smem:$0x3FBA];
	_ =	sdelay $0x3  }
0x34: {  	[smem:$0x3FBA] =	sst s10  }
0x35: {  	s10 =	sld [smem:$0x3FB9];
	_ =	sdelay $0x3  }
0x36: {  	p1 =	seq.s32 s10, $0x1;
	s10 =	sld [smem:$0x3FBA];
	_ =	sdelay $0x3  }
0x37: {  	[smem:$0x3FBA] =	sst s10  }
0x38: {  	s10 =	sld [smem:$0x3FBB]  }
0x39: {  	_ = 	snop;
	(pc) =	sbr.ind lr, $3  }
0x3a: {  	_ = 	snop  }
0x3b: {  	_ = 	snop  }
0x3c: {  	p2 =	seq.s32 s10, $0x1;
	s10 =	sld [smem:$0x3FBA]  }
0x3d: {  	_ =	shalt  }
0x3e: {  	_ =	shalt  }
0x3f: {  	_ =	shalt  }
0x40: {  	_ =	shalt  }
0x41: {  	_ =	shalt  }
0x42: {  	_ =	shalt  }
0x43: {  	_ =	shalt  }
0x44: {  	_ =	shalt  }
0x45: {  	_ =	shalt  }
0x46: {  	_ =	shalt  }
0x47: {  	_ =	shalt  }
0x48: {  	_ =	shalt  }
0x49: {  	_ =	shalt  }
0x4a: {  	_ =	shalt  }
0x4b: {  	_ =	shalt  }
0x4c: {  	_ =	shalt  }
0x4d: {  	_ =	shalt  }
0x4e: {  	_ =	shalt  }
0x4f: {  	_ =	shalt  }
0x50: {  	_ =	shalt  }
0x51: {  	_ =	shalt  }
0x52: {  	_ =	shalt  }
0x53: {  	_ =	shalt  }
0x54: {  	_ =	shalt  }
0x55: {  	_ =	shalt  }
0x56: {  	_ =	shalt  }
0x57: {  	_ =	shalt  }
0x58: {  	_ =	shalt  }
0x59: {  	_ =	shalt  }
0x5a: {  	_ =	shalt  }
0x5b: {  	_ =	shalt  }
0x5c: {  	_ =	shalt  }
0x5d: {  	_ =	shalt  }
0x5e: {  	_ =	shalt  }
0x5f: {  	_ =	shalt  }
0x60: {  	_ =	shalt  }
0x61: {  	_ =	shalt  }
0x62: {  	_ =	shalt  }
0x63: {  	_ =	shalt  }
0x64: {  	_ =	shalt  }
0x65: {  	_ =	shalt  }
0x66: {  	_ =	shalt  }
0x67: {  	_ =	shalt  }
0x68: {  	_ =	shalt  }
0x69: {  	_ =	shalt  }
0x6a: {  	_ =	shalt  }
0x6b: {  	_ =	shalt  }
0x6c: {  	_ =	shalt  }
0x6d: {  	_ =	shalt  }
0x6e: {  	_ =	shalt  }
0x6f: {  	_ =	shalt  }
0x70: {  	_ =	shalt  }
0x71: {  	_ =	shalt  }
0x72: {  	_ =	shalt  }
0x73: {  	_ =	shalt  }
0x74: {  	_ =	shalt  }
0x75: {  	_ =	shalt  }
0x76: {  	_ =	shalt  }
0x77: {  	_ =	shalt  }
0x78: {  	_ =	shalt  }
0x79: {  	_ =	shalt  }
0x7a: {  	_ =	shalt  }
0x7b: {  	_ =	shalt  }
0x7c: {  	_ =	shalt  }
0x7d: {  	_ =	shalt  }
0x7e: {  	_ =	shalt  }
0x7f: {  	_ =	shalt  }
0x80: {  	_ =	shalt  }
0x81: {  	_ =	shalt  }
0x82: {  	_ =	shalt  }
0x83: {  	_ =	shalt  }
0x84: {  	_ =	shalt  }
0x85: {  	_ =	shalt  }
0x86: {  	_ =	shalt  }
0x87: {  	_ =	shalt  }
.Lfunc_end0:
.L_simem_size_0:
called_computation.1_lowered:
.L_overlay_start_0:
0x88: {  	s2 =	sld [smem:$0x3FD9]  }
0x89: {  	s3 =	sld [smem:$0x3FFE];
	_ =	sdelay $0x1  }
0x8a: {  	s1 =	srdreg.scid  }
0x8b: {  	s0 =	sand.u32 $0x1, s1  }
0x8c: {  	s17 =	sshll.u32 s0, $0xA;
	s2 =	sadd.s32 s3, s2  }
0x8d: {  	s2 =	sadd.s32 s2, s17  }
0x8e: {  	[smem:$0x3FC6] =	sst s2  }
0x8f: {  	_ = 	snop  }
0x90: {  	s2 =	sld [smem:$0x3FD0];
	(tm) =	ssettm $0x1  }
0x91: {  	s18 =	sld [smem:$0x3FFB];
	_ =	sdelay $0x3  }
0x92: {  	_ =	strace s18  }
0x93: {  	s3 =	sld [smem:$0x3FFC];
	_ =	sdelay $0x3  }
0x94: {  	_ =	strace s3  }
0x95: {  	s3 =	sld [smem:$0x3FFD];
	_ =	sdelay $0x3  }
0x96: {  	_ =	strace s3  }
0x97: {  	_ =	strace $0x8FFFFFFF  }
0x98: {  	s19 =	sld [smem:$0x3FDB];
	_ =	sdelay $0x1  }
0x99: {  	s4 =	simm.s32 $_scs_section_size  }
0x9a: {  	s5 =	simm.s32 $_size__tile_overlayer_lowered;
	s6 =	simm.s32 $_tile_overlayer_lowered  }
0x9b: {  	s22 =	simm.s32 $0x1BFF;
	s21 =	sshll.u32 s6, $0x1;
	s3 =	sadd.s32 s4, s19  }
0x9c: {  	s7 =	simm.s32 $0x0;
	s20 =	sshll.u32 s5, $0x1;
	s5 =	sadd.s32 s21, s3  }
0x9d: {  	[timem:s7], [sflag:s22] =	dma.local [hbm:s5], s20  }
0x9e: {  	_ =	swait.ge [sflag:s22], s20  }
0x9f: {  	s4 =	ssub.s32 $0x0, s20;
	[sflag:s22] =	ssyncset.done $0x0  }
0xa0: {  	[sflag:s22] =	ssyncadd.s32 s4;
	_ =	sdelay $0x1  }
0xa1: {  	s23 =	simm.s32 $0x1B8B  }
0xa2: {  	_ =	swait.ge [sflag:s23], $0x1  }
0xa3: {  	[sflag:s23] =	ssyncset.done $0x0  }
0xa4: {  	s25 =	simm.s32 $0x1B8E;
	s24 =	sld [smem:$0x3FFE];
	[sflag:s23] =	ssyncadd.s32 $0xFFFFFFFF  }
0xa5: {  	s26 =	simm.s32 $execute0_lowered;
	[smem:$0x3FD2] =	sst s25  }
0xa6: {  	s5 =	sshll.u32 s26, $0x1;
	_ =	strace $0x80000046;
	[dreg:$0x1] =	wrdreg $0xFFFFFFFF  }
0xa7: {  	s28 =	simm.s32 $_size_execute0_lowered;
	s3 =	sadd.s32 s3, s5;
	[dreg:$0x0] =	wrdreg $0x0  }
0xa8: {  	s5 =	sshll.u32 s28, $0x1;
	[dreg:$0x2] =	wrdreg s3  }
0xa9: {  	[dreg:$0x3] =	wrdreg s5  }
0xaa: {  	[dreg:$0x4] =	wrdreg $0xC0  }
0xab: {  	_ =	task [dreg:s7], $0x5FFFF  }
0xac: {  	[dreg:$0x1] =	wrdreg $0xFFFFFFFF  }
0xad: {  	[dreg:$0x0] =	wrdreg $0x60  }
0xae: {  	[dreg:$0x2] =	wrdreg s24  }
0xaf: {  	[dreg:$0x3] =	wrdreg s2  }
0xb0: {  	[dreg:$0x4] =	wrdreg $0x9  }
0xb1: {  	_ =	task.clear_ibuf [dreg:s7], $0x5FFFF;
	_ =	strace $0x90000046  }
0xb2: {  	s29 =	simm.s32 $0x9;
	_ =	strace $0x80000048  }
0xb3: {  	_ =	swait.ge [sflag:s29], $0x1  }
0xb4: {  	[sflag:s29] =	ssyncadd.s32 $0xFFFFFFFF  }
0xb5: {  	_ =	strace $0x90000048  }
0xb6: {  	_ =	sfence  }
0xb7: {  	s30 =	sld [smem:$0x0];
	_ =	sdelay $0x2  }
0xb8: {  	s31 =	sshll.u32 s1, $0xD;
	s1 =	sshrl.u32 s1, $0x2  }
0xb9: {  	s3 =	sand.u32 $0x4000, s31;
	s1 =	sadd.s32 s1, s30  }
0xba: {  	s0 =	sor.u32 s3, s0;
	s1 =	sshll.u32 s1, $0x11  }
0xbb: {  	s0 =	sor.u32 s1, s0  }
0xbc: {  	s0 =	sadd.s32 $0x8F2B, s0  }
0xbd: {  	[sflag:s0] =	ssyncadd.remote.s32 $0x1  }
0xbe: {  	_ =	sfence.sel $0xFFFF  }
0xbf: {  	[dreg:$0x0] =	wrdreg $0xFFFFFFFF;
	(pc) =	sbr.abs _section_cstart, $3  }
0xc0: {  	[dreg:$0x1] =	wrdreg $0xFFFFFFFF  }
0xc1: {  	_ =	task.clear_ibuf [dreg:s7], $0x2FFFF;
	_ =	strace $0x9FFFFFFF  }
0xc2: {  	(tm) =	ssettm $0x7FFFFFFF  }
0xc3: {  	_ =	shalt  }
tec
execute0_lowered:
.L_overlay_start_1:
0x0: {  	(tag) =	ssettag $0x1  }
0x1: {  	s1 =	rddreg [dreg:$0x0]  }
0x2: {  	s2 =	srdreg.scid;
	s0 =	stileid.u32  }
0x3: {  	s6 =	rddreg [dreg:$0x1];
	s10 =	simm.s32 $0x6400;
	s14 =	simm.s32 $0x180  }
0x4: {  	s15 =	simm.s32 $0xC400;
	s16 =	simm.s32 $0x200;
	s30 =	simm.s32 $0x12400  }
0x5: {  	s17 =	simm.s32 $0xE400;
	s31 =	simm.s32 $0x14400;
	s18 =	simm.s32 $0x10400  }
0x6: {  	s19 =	simm.s32 $0x16400;
	s20 =	simm.s32 $0x18400;
	s21 =	simm.s32 $0x1  }
0x7: {  	s22 =	simm.s32 $0x3;
	s23 =	simm.s32 $0x2;
	s4 =	smul.u32 $0xC800, s0  }
0x8: {  	s5 =	sand.u32 $0x1, s2;
	s3 =	sshll.u32 s0, $0x1;
	s25 =	smul.u32 $0x64000, s0  }
0x9: {  	s2 =	simm.s32 $0x0;
	s3 =	sor.u32 s5, s3;
	s8 =	smul.u32 $0x6400, s5  }
0xa: {  	[smem:$0x7FF] =	sst s2;
	s7 =	ssub.s32 $0x2, s5;
	s26 =	smul.u32 $0x32000, s5  }
0xb: {  	s3 =	smul.u32 $0x6400, s3;
	_ =	strace $0x80000047;
	[dreg:$0x3] =	wrdreg s30  }
0xc: {  	s24 =	sshrl.u32 s7, $0x1;
	s28 =	sadd.s32 s25, s6;
	[dreg:$0x4] =	wrdreg s31  }
0xd: {  	s25 =	simm.s32 $0x0;
	s8 =	sadd.s32 s8, s4;
	s3 =	sshrl.u32 s3, $0x3  }
0xe: {  	s8 =	sshll.u32 s8, $0x3;
	s9 =	sadd.s32 s3, s1;
	s3 =	sadd.s32 $0xF42E00, s1  }
0xf: {  	s1 =	ssub.s32 s7, s24;
	s29 =	sadd.s32 s8, s6;
	s6 =	sadd.s32 s26, s28  }
0x10: {  	s8 =	simm.s32 $0x5;
	s24 =	simm.s32 $0x4;
	s4 =	sadd.s32 $0xA00, s9  }
0x11: {  	s5 =	smax.u32 s1, $0x1;
	s7 =	sadd.s32 $0x1400, s29;
	s9 =	simm.s32 $0x80  }
.LBB2_1:
0x12: {  	[tilespmem:s2], [sflag:$0x5] =	stream.linear.gather [hbm4b:s4+s2], $0x6400, $0x38;
	[tilespmem:$0x1A400] =	vst v63  }
0x13: {  	_ =	swait.ge [sflag:s8], $0x6400  }
0x14: {  	[sflag:s8] =	ssyncset.done $0x0  }
0x15: {  	[sflag:s8] =	ssyncadd.s32 $0xFFFF9C00  }
0x16: {  	[tilespmem:s10], [sflag:$0x1] =	stream.indirect.gather [hbm4b:s3+s9], $0x40, s2, s9, $0xb8;
	[tilespmem:$0x1A400] =	vst v63  }
0x17: {  	s0 =	simm.s32 $0x8400  }
0x18: {  	[tilespmem:s0], [sflag:$0x1] =	stream.indirect.gather [hbm4b:s3+s9], $0x40, s9, s9, $0xb8;
	[tilespmem:$0x1A400] =	vst v63  }
0x19: {  	s26 =	simm.s32 $0x100;
	s1 =	simm.s32 $0xA400  }
0x1a: {  	[tilespmem:s1], [sflag:$0x1] =	stream.indirect.gather [hbm4b:s3+s9], $0x40, s26, s9, $0xb8;
	[tilespmem:$0x1A400] =	vst v63  }
0x1b: {  	p0 =	por $0x1, $0x1  }
0x1c: {  	[tilespmem:s15], [sflag:$0x1] =	stream.indirect.gather [hbm4b:s3+s9], $0x40, s14, s9, $0xb8;
	[tilespmem:$0x1A400] =	vst v63  }
0x1d: {  	s1 =	simm.s32 @!p0 $0x4  }
0x1e: {  	[tilespmem:s17], [sflag:$0x1] =	stream.indirect.gather [hbm4b:s3+s9], $0x40, s16, s9, $0xb8;
	[tilespmem:$0x1A400] =	vst v63  }
0x1f: {  	_ =	swait.ge @!p0 [sflag:s1], $0xA000  }
0x20: {  	[sflag:s1] =	ssyncset.done @!p0 $0x0  }
0x21: {  	s0 =	simm.s32 $0x280;
	[sflag:s1] =	ssyncadd.s32 @!p0 $0xFFFF6000  }
0x22: {  	[tilespmem:s18], [sflag:$0x2] =	stream.indirect.gather [hbm4b:s3+s9], $0x40, s0, s9, $0xb8;
	[tilespmem:$0x1A400] =	vst v63  }
0x23: {  	s11 =	simm.s32 $0x300;
	s26 =	rddreg [dreg:$0x3]  }
0x24: {  	[tilespmem:s26], [sflag:$0x2] =	stream.indirect.gather [hbm4b:s3+s9], $0x40, s11, s9, $0xb8;
	[tilespmem:$0x1A400] =	vst v63  }
0x25: {  	s12 =	simm.s32 $0x380;
	s28 =	rddreg [dreg:$0x4]  }
0x26: {  	[tilespmem:s28], [sflag:$0x2] =	stream.indirect.gather [hbm4b:s3+s9], $0x40, s12, s9, $0xb8;
	[tilespmem:$0x1A400] =	vst v63  }
0x27: {  	s13 =	simm.s32 $0x400  }
0x28: {  	[tilespmem:s19], [sflag:$0x2] =	stream.indirect.gather [hbm4b:s3+s9], $0x40, s13, s9, $0xb8;
	[tilespmem:$0x1A400] =	vst v63  }
0x29: {  	s26 =	simm.s32 $0x480  }
0x2a: {  	[tilespmem:s20], [sflag:$0x2] =	stream.indirect.gather [hbm4b:s3+s9], $0x40, s26, s9, $0xb8;
	[tilespmem:$0x1A400] =	vst v63  }
0x2b: {  	_ =	swait.ge [sflag:s21], $0x2000  }
0x2c: {  	[sflag:s21] =	ssyncset.done $0x0  }
0x2d: {  	[sflag:s21] =	ssyncadd.s32 $0xFFFFE000  }
0x2e: {  	_ =	swait.ge [sflag:s21], $0x2000  }
0x2f: {  	[sflag:s21] =	ssyncset.done $0x0  }
0x30: {  	[sflag:s21] =	ssyncadd.s32 $0xFFFFE000  }
0x31: {  	_ =	swait.ge [sflag:s21], $0x2000  }
0x32: {  	[sflag:s21] =	ssyncset.done $0x0  }
0x33: {  	[sflag:s21] =	ssyncadd.s32 $0xFFFFE000  }
0x34: {  	_ =	swait.ge [sflag:s21], $0x2000  }
0x35: {  	[sflag:s21] =	ssyncset.done $0x0  }
0x36: {  	[sflag:s21] =	ssyncadd.s32 $0xFFFFE000  }
0x37: {  	_ =	swait.ge [sflag:s21], $0x2000  }
0x38: {  	[sflag:s21] =	ssyncset.done $0x0  }
0x39: {  	[sflag:s21] =	ssyncadd.s32 $0xFFFFE000  }
0x3a: {  	[hbm4b:s6+s2] =	stream.linear.scatter [tilespmem:s10], [sflag:$0x3], $0xA000, $0x38;
	[tilespmem:$0x1A400] =	vst v63  }
0x3b: {  	p0 =	por $0x0, $0x0;
	_ =	swait.ge [sflag:s22], $0xA000  }
0x3c: {  	s1 =	simm.s32 @!p0 $0x6400;
	[sflag:s22] =	ssyncset.done $0x0  }
0x3d: {  	s28 =	simm.s32 @!p0 $0x80;
	s26 =	simm.s32 @!p0 $0x500;
	[sflag:s22] =	ssyncadd.s32 $0xFFFF6000  }
0x3e: {  	[tilespmem:s1], [sflag:$0x1] =	stream.indirect.gather @!p0 [hbm4b:s3+s28], $0x40, s26, s28, $0xb8;
	[tilespmem:$0x1A400] =	vst v63  }
0x3f: {  	s1 =	simm.s32 @!p0 $0x580;
	s26 =	simm.s32 @!p0 $0x8400  }
0x40: {  	[tilespmem:s26], [sflag:$0x1] =	stream.indirect.gather @!p0 [hbm4b:s3+s28], $0x40, s1, s28, $0xb8;
	[tilespmem:$0x1A400] =	vst v63  }
0x41: {  	s1 =	simm.s32 @!p0 $0x600;
	s26 =	simm.s32 @!p0 $0xA400  }
0x42: {  	[tilespmem:s26], [sflag:$0x1] =	stream.indirect.gather @!p0 [hbm4b:s3+s28], $0x40, s1, s28, $0xb8;
	[tilespmem:$0x1A400] =	vst v63  }
0x43: {  	s1 =	simm.s32 @!p0 $0x680;
	s26 =	simm.s32 @!p0 $0xC400  }
0x44: {  	[tilespmem:s26], [sflag:$0x1] =	stream.indirect.gather @!p0 [hbm4b:s3+s28], $0x40, s1, s28, $0xb8;
	[tilespmem:$0x1A400] =	vst v63  }
0x45: {  	s1 =	simm.s32 @!p0 $0x700;
	s26 =	simm.s32 @!p0 $0xE400  }
0x46: {  	[tilespmem:s26], [sflag:$0x1] =	stream.indirect.gather @!p0 [hbm4b:s3+s28], $0x40, s1, s28, $0xb8;
	[tilespmem:$0x1A400] =	vst v63  }
0x47: {  	_ =	swait.ge [sflag:s23], $0x2000  }
0x48: {  	[sflag:s23] =	ssyncset.done $0x0  }
0x49: {  	[sflag:s23] =	ssyncadd.s32 $0xFFFFE000  }
0x4a: {  	_ =	swait.ge [sflag:s23], $0x2000  }
0x4b: {  	[sflag:s23] =	ssyncset.done $0x0  }
0x4c: {  	[sflag:s23] =	ssyncadd.s32 $0xFFFFE000  }
0x4d: {  	_ =	swait.ge [sflag:s23], $0x2000  }
0x4e: {  	[sflag:s23] =	ssyncset.done $0x0  }
0x4f: {  	[sflag:s23] =	ssyncadd.s32 $0xFFFFE000  }
0x50: {  	_ =	swait.ge [sflag:s23], $0x2000  }
0x51: {  	[sflag:s23] =	ssyncset.done $0x0  }
0x52: {  	s29 =	simm.s32 $0x1400;
	s30 =	simm.s32 $0x2800;
	[sflag:s23] =	ssyncadd.s32 $0xFFFFE000  }
0x53: {  	p1 =	por $0x0, $0x0;
	s31 =	smov.u32 s7;
	_ =	swait.ge [sflag:s23], $0x2000  }
0x54: {  	s26 =	sadd.s32 $0x2800, s7;
	s28 =	sadd.s32 $0x2800, s6;
	[sflag:s23] =	ssyncset.done $0x0  }
.LBB2_2:
0x55: {  	s0 =	simm.s32 @!p1 $0x4;
	[sflag:s23] =	ssyncadd.s32 $0xFFFFE000  }
0x56: {  	[hbm4b:s31+s2] =	stream.linear.scatter [tilespmem:s18], [sflag:$0x4], $0xA000, $0x38;
	[tilespmem:$0x1A400] =	vst v63  }
0x57: {  	_ =	swait.ge @!p1 [sflag:s0], $0xA000  }
0x58: {  	s11 =	sshra.s32 s29, $0x2;
	[sflag:s0] =	ssyncset.done @!p1 $0x0  }
0x59: {  	s13 =	sadd.s32 $0x280, s11;
	[sflag:s0] =	ssyncadd.s32 @!p1 $0xFFFF6000  }
0x5a: {  	[tilespmem:s18], [sflag:$0x2] =	stream.indirect.gather [hbm4b:s3+s9], $0x40, s13, s9, $0xb8;
	[tilespmem:$0x1A400] =	vst v63  }
0x5b: {  	s12 =	rddreg [dreg:$0x3];
	s0 =	sadd.s32 $0x300, s11  }
0x5c: {  	[tilespmem:s12], [sflag:$0x2] =	stream.indirect.gather [hbm4b:s3+s9], $0x40, s0, s9, $0xb8;
	[tilespmem:$0x1A400] =	vst v63  }
0x5d: {  	s13 =	rddreg [dreg:$0x4];
	s12 =	sadd.s32 $0x380, s11  }
0x5e: {  	[tilespmem:s13], [sflag:$0x2] =	stream.indirect.gather [hbm4b:s3+s9], $0x40, s12, s9, $0xb8;
	[tilespmem:$0x1A400] =	vst v63  }
0x5f: {  	s12 =	sadd.s32 $0x400, s11  }
0x60: {  	[tilespmem:s19], [sflag:$0x2] =	stream.indirect.gather [hbm4b:s3+s9], $0x40, s12, s9, $0xb8;
	[tilespmem:$0x1A400] =	vst v63  }
0x61: {  	s13 =	sadd.s32 $0x480, s11  }
0x62: {  	[tilespmem:s20], [sflag:$0x2] =	stream.indirect.gather [hbm4b:s3+s9], $0x40, s13, s9, $0xb8;
	[tilespmem:$0x1A400] =	vst v63  }
0x63: {  	_ =	swait.ge [sflag:s21], $0x2000  }
0x64: {  	[sflag:s21] =	ssyncset.done $0x0  }
0x65: {  	[sflag:s21] =	ssyncadd.s32 $0xFFFFE000  }
0x66: {  	_ =	swait.ge [sflag:s21], $0x2000  }
0x67: {  	[sflag:s21] =	ssyncset.done $0x0  }
0x68: {  	[sflag:s21] =	ssyncadd.s32 $0xFFFFE000  }
0x69: {  	_ =	swait.ge [sflag:s21], $0x2000  }
0x6a: {  	[sflag:s21] =	ssyncset.done $0x0  }
0x6b: {  	[sflag:s21] =	ssyncadd.s32 $0xFFFFE000  }
0x6c: {  	_ =	swait.ge [sflag:s21], $0x2000  }
0x6d: {  	[sflag:s21] =	ssyncset.done $0x0  }
0x6e: {  	[sflag:s21] =	ssyncadd.s32 $0xFFFFE000  }
0x6f: {  	_ =	swait.ge [sflag:s21], $0x2000  }
0x70: {  	[sflag:s21] =	ssyncset.done $0x0  }
0x71: {  	[sflag:s21] =	ssyncadd.s32 $0xFFFFE000  }
0x72: {  	[hbm4b:s28+s2] =	stream.linear.scatter [tilespmem:s10], [sflag:$0x3], $0xA000, $0x38;
	[tilespmem:$0x1A400] =	vst v63  }
0x73: {  	p1 =	seq.s32 s29, $0x17C00;
	_ =	swait.ge [sflag:s22], $0xA000  }
0x74: {  	s0 =	sshra.s32 @!p1 s29, $0x2;
	s11 =	simm.s32 @!p1 $0x6400;
	[sflag:s22] =	ssyncset.done $0x0  }
0x75: {  	s12 =	sadd.s32 @!p1 $0x500, s0;
	s13 =	simm.s32 @!p1 $0x80;
	[sflag:s22] =	ssyncadd.s32 $0xFFFF6000  }
0x76: {  	[tilespmem:s11], [sflag:$0x1] =	stream.indirect.gather @!p1 [hbm4b:s3+s13], $0x40, s12, s13, $0xb8;
	[tilespmem:$0x1A400] =	vst v63  }
0x77: {  	s11 =	sadd.s32 @!p1 $0x580, s0;
	s12 =	simm.s32 @!p1 $0x8400  }
0x78: {  	[tilespmem:s12], [sflag:$0x1] =	stream.indirect.gather @!p1 [hbm4b:s3+s13], $0x40, s11, s13, $0xb8;
	[tilespmem:$0x1A400] =	vst v63  }
0x79: {  	s29 =	sadd.s32 @!p1 $0x600, s0;
	s11 =	simm.s32 @!p1 $0xA400  }
0x7a: {  	[tilespmem:s11], [sflag:$0x1] =	stream.indirect.gather @!p1 [hbm4b:s3+s13], $0x40, s29, s13, $0xb8;
	[tilespmem:$0x1A400] =	vst v63  }
0x7b: {  	s1 =	smov.u32 s30;
	s12 =	sadd.s32 @!p1 $0x680, s0;
	s11 =	simm.s32 @!p1 $0xC400  }
0x7c: {  	[tilespmem:s11], [sflag:$0x1] =	stream.indirect.gather @!p1 [hbm4b:s3+s13], $0x40, s12, s13, $0xb8;
	[tilespmem:$0x1A400] =	vst v63  }
0x7d: {  	s0 =	sadd.s32 @!p1 $0x700, s0;
	s29 =	smov.u32 s1;
	s1 =	simm.s32 @!p1 $0xE400  }
0x7e: {  	[tilespmem:s1], [sflag:$0x1] =	stream.indirect.gather @!p1 [hbm4b:s3+s13], $0x40, s0, s13, $0xb8;
	[tilespmem:$0x1A400] =	vst v63  }
0x7f: {  	_ =	swait.ge [sflag:s23], $0x2000  }
0x80: {  	[sflag:s23] =	ssyncset.done $0x0  }
0x81: {  	[sflag:s23] =	ssyncadd.s32 $0xFFFFE000  }
0x82: {  	_ =	swait.ge [sflag:s23], $0x2000  }
0x83: {  	[sflag:s23] =	ssyncset.done $0x0  }
0x84: {  	[sflag:s23] =	ssyncadd.s32 $0xFFFFE000  }
0x85: {  	_ =	swait.ge [sflag:s23], $0x2000  }
0x86: {  	s30 =	sadd.s32 $0x1400, s30;
	[sflag:s23] =	ssyncset.done $0x0  }
0x87: {  	p0 =	sne.s32 s30, $0x19000;
	[sflag:s23] =	ssyncadd.s32 $0xFFFFE000  }
.Ltmp0:
0x88: {  	_ =	swait.ge [sflag:s23], $0x2000;
	(pc) =	sbr.rel @p0 .LBB2_2-.Ltmp0, $4  }
0x89: {  	[sflag:s23] =	ssyncset.done $0x0  }
0x8a: {  	[sflag:s23] =	ssyncadd.s32 $0xFFFFE000  }
0x8b: {  	s31 =	smov.u32 s26;
	s26 =	sadd.s32 $0x2800, s26;
	_ =	swait.ge [sflag:s23], $0x2000  }
0x8c: {  	s28 =	sadd.s32 $0x2800, s28;
	p1 =	seq.s32 s29, $0x0;
	[sflag:s23] =	ssyncset.done $0x0  }
0x8d: {  	s0 =	simm.s32 @!p1 $0x4;
	[sflag:s23] =	ssyncadd.s32 $0xFFFFE000  }
0x8e: {  	[hbm4b:s31+s2] =	stream.linear.scatter [tilespmem:s18], [sflag:$0x4], $0xA000, $0x38;
	[tilespmem:$0x1A400] =	vst v63  }
0x8f: {  	_ =	swait.ge @!p1 [sflag:s0], $0xA000  }
0x90: {  	s1 =	sshra.s32 s29, $0x2;
	[sflag:s0] =	ssyncset.done @!p1 $0x0  }
0x91: {  	s30 =	sadd.s32 $0x280, s1;
	[sflag:s0] =	ssyncadd.s32 @!p1 $0xFFFF6000  }
0x92: {  	[tilespmem:s18], [sflag:$0x2] =	stream.indirect.gather [hbm4b:s3+s9], $0x40, s30, s9, $0xb8;
	[tilespmem:$0x1A400] =	vst v63  }
0x93: {  	s31 =	sadd.s32 $0x300, s1;
	s11 =	rddreg [dreg:$0x3]  }
0x94: {  	[tilespmem:s11], [sflag:$0x2] =	stream.indirect.gather [hbm4b:s3+s9], $0x40, s31, s9, $0xb8;
	[tilespmem:$0x1A400] =	vst v63  }
0x95: {  	s13 =	sadd.s32 $0x380, s1;
	s12 =	rddreg [dreg:$0x4]  }
0x96: {  	[tilespmem:s12], [sflag:$0x2] =	stream.indirect.gather [hbm4b:s3+s9], $0x40, s13, s9, $0xb8;
	[tilespmem:$0x1A400] =	vst v63  }
0x97: {  	s30 =	sadd.s32 $0x400, s1  }
0x98: {  	[tilespmem:s19], [sflag:$0x2] =	stream.indirect.gather [hbm4b:s3+s9], $0x40, s30, s9, $0xb8;
	[tilespmem:$0x1A400] =	vst v63  }
0x99: {  	s31 =	sadd.s32 $0x480, s1  }
0x9a: {  	[tilespmem:s20], [sflag:$0x2] =	stream.indirect.gather [hbm4b:s3+s9], $0x40, s31, s9, $0xb8;
	[tilespmem:$0x1A400] =	vst v63  }
0x9b: {  	_ =	swait.ge [sflag:s21], $0x2000  }
0x9c: {  	[sflag:s21] =	ssyncset.done $0x0  }
0x9d: {  	[sflag:s21] =	ssyncadd.s32 $0xFFFFE000  }
0x9e: {  	_ =	swait.ge [sflag:s21], $0x2000  }
0x9f: {  	[sflag:s21] =	ssyncset.done $0x0  }
0xa0: {  	[sflag:s21] =	ssyncadd.s32 $0xFFFFE000  }
0xa1: {  	_ =	swait.ge [sflag:s21], $0x2000  }
0xa2: {  	[sflag:s21] =	ssyncset.done $0x0  }
0xa3: {  	[sflag:s21] =	ssyncadd.s32 $0xFFFFE000  }
0xa4: {  	_ =	swait.ge [sflag:s21], $0x2000  }
0xa5: {  	[sflag:s21] =	ssyncset.done $0x0  }
0xa6: {  	[sflag:s21] =	ssyncadd.s32 $0xFFFFE000  }
0xa7: {  	_ =	swait.ge [sflag:s21], $0x2000  }
0xa8: {  	[sflag:s21] =	ssyncset.done $0x0  }
0xa9: {  	[sflag:s21] =	ssyncadd.s32 $0xFFFFE000  }
0xaa: {  	[hbm4b:s28+s2] =	stream.linear.scatter [tilespmem:s10], [sflag:$0x3], $0xA000, $0x38;
	[tilespmem:$0x1A400] =	vst v63  }
0xab: {  	p0 =	seq.s32 s29, $0x17C00;
	_ =	swait.ge [sflag:s22], $0xA000  }
0xac: {  	s0 =	sshra.s32 @!p0 s29, $0x2;
	s1 =	simm.s32 @!p0 $0x6400;
	[sflag:s22] =	ssyncset.done $0x0  }
0xad: {  	s11 =	sadd.s32 @!p0 $0x500, s0;
	s12 =	simm.s32 @!p0 $0x80;
	[sflag:s22] =	ssyncadd.s32 $0xFFFF6000  }
0xae: {  	[tilespmem:s1], [sflag:$0x1] =	stream.indirect.gather @!p0 [hbm4b:s3+s12], $0x40, s11, s12, $0xb8;
	[tilespmem:$0x1A400] =	vst v63  }
0xaf: {  	s1 =	sadd.s32 @!p0 $0x580, s0;
	s11 =	simm.s32 @!p0 $0x8400  }
0xb0: {  	[tilespmem:s11], [sflag:$0x1] =	stream.indirect.gather @!p0 [hbm4b:s3+s12], $0x40, s1, s12, $0xb8;
	[tilespmem:$0x1A400] =	vst v63  }
0xb1: {  	s1 =	sadd.s32 @!p0 $0x600, s0;
	s11 =	simm.s32 @!p0 $0xA400  }
0xb2: {  	[tilespmem:s11], [sflag:$0x1] =	stream.indirect.gather @!p0 [hbm4b:s3+s12], $0x40, s1, s12, $0xb8;
	[tilespmem:$0x1A400] =	vst v63  }
0xb3: {  	s1 =	sadd.s32 @!p0 $0x680, s0;
	s11 =	simm.s32 @!p0 $0xC400  }
0xb4: {  	[tilespmem:s11], [sflag:$0x1] =	stream.indirect.gather @!p0 [hbm4b:s3+s12], $0x40, s1, s12, $0xb8;
	[tilespmem:$0x1A400] =	vst v63  }
0xb5: {  	s0 =	sadd.s32 @!p0 $0x700, s0;
	s1 =	simm.s32 @!p0 $0xE400  }
0xb6: {  	[tilespmem:s1], [sflag:$0x1] =	stream.indirect.gather @!p0 [hbm4b:s3+s12], $0x40, s0, s12, $0xb8;
	[tilespmem:$0x1A400] =	vst v63  }
0xb7: {  	_ =	swait.ge [sflag:s23], $0x2000  }
0xb8: {  	[sflag:s23] =	ssyncset.done $0x0  }
0xb9: {  	[sflag:s23] =	ssyncadd.s32 $0xFFFFE000  }
0xba: {  	_ =	swait.ge [sflag:s23], $0x2000  }
0xbb: {  	[sflag:s23] =	ssyncset.done $0x0  }
0xbc: {  	[sflag:s23] =	ssyncadd.s32 $0xFFFFE000  }
0xbd: {  	_ =	swait.ge [sflag:s23], $0x2000  }
0xbe: {  	[sflag:s23] =	ssyncset.done $0x0  }
0xbf: {  	[sflag:s23] =	ssyncadd.s32 $0xFFFFE000  }
0xc0: {  	_ =	swait.ge [sflag:s23], $0x2000  }
0xc1: {  	[sflag:s23] =	ssyncset.done $0x0  }
0xc2: {  	[sflag:s23] =	ssyncadd.s32 $0xFFFFE000  }
0xc3: {  	s25 =	sadd.s32 $0x1, s25;
	_ =	swait.ge [sflag:s23], $0x2000  }
0xc4: {  	p0 =	sne.s32 s25, s5;
	[sflag:s23] =	ssyncset.done $0x0  }
.Ltmp1:
0xc5: {  	[sflag:s23] =	ssyncadd.s32 $0xFFFFE000;
	(pc) =	sbr.rel @p0 .LBB2_1-.Ltmp1, $4  }
0xc6: {  	[hbm4b:s26+s2] =	stream.linear.scatter [tilespmem:s18], [sflag:$0x4], $0xA000, $0x38;
	[tilespmem:$0x1A400] =	vst v63  }
0xc7: {  	_ =	swait.ge [sflag:s24], $0xA000  }
0xc8: {  	[sflag:s24] =	ssyncset.done $0x0  }
0xc9: {  	[sflag:s24] =	ssyncadd.s32 $0xFFFF6000  }
0xca: {  	_ =	sfence.sel $0x180000  }
0xcb: {  	[bflag:$0x0] =	sbarrier.arrive $0xFFFF  }
0xcc: {  	_ =	strace $0x90000047  }
0xcd: {  	s0 =	stileid.u32;
	[bflag:$0x2] =	sbarrier.arrive $0xFFFF  }
0xce: {  	p0 =	sne.s32 s0, $0x0;
	s0 =	rddreg [dreg:$0x2]  }
0xcf: {  	s0 =	sadd.s32 @!p0 $0x100000, s0  }
0xd0: {  	[sflag:s0] =	ssyncadd.tile.s32 @!p0 $0x1;
	_ =	shalt  }
.Lfunc_end2:
_tile_overlayer_lowered:
.L_overlay_start_2:
0xd1: {  	(tag) =	ssettag $0x2  }
0xd2: {  	s0 =	rddreg [dreg:$0x0];
	s2 =	stileid.u32  }
0xd3: {  	s1 =	rddreg [dreg:$0x1];
	p0 =	sne.s32 s2, $0x0  }
0xd4: {  	s3 =	rddreg [dreg:$0x2];
	[bflag:$0x3] =	sbarrier.arrive $0xFFFF;
	s2 =	simm.s32 @!p0 $0x1C05  }
0xd5: {  	[timem:s3], [sflag:s2] =	dma.local @!p0 [hbm:s0], s1  }
0xd6: {  	s0 =	simm.s32 @!p0 $0x5  }
0xd7: {  	_ =	swait.ge @!p0 [sflag:s0], s1  }
0xd8: {  	s1 =	ssub.s32 @!p0 $0x0, s1;
	[sflag:s0] =	ssyncset.done @!p0 $0x0  }
0xd9: {  	[sflag:s0] =	ssyncadd.s32 @!p0 s1  }
0xda: {  	[bflag:$0x3] =	sbarrier.arrive $0xFFFF  }
0xdb: {  	_ =	shalt  }

// kernel: sparse-core-data-format-call.cloned.1.call-start
scs
called_computation_lowered:
.L_overlay_start_0:
0x0: {  	s2 =	sld [smem:$0x3FD9]  }
0x1: {  	s3 =	sld [smem:$0x3FFE];
	_ =	sdelay $0x1  }
0x2: {  	s1 =	srdreg.scid  }
0x3: {  	s0 =	sand.u32 $0x1, s1  }
0x4: {  	s18 =	sshll.u32 s0, $0xA;
	s2 =	sadd.s32 s3, s2  }
0x5: {  	s2 =	sadd.s32 s2, s18  }
0x6: {  	[smem:$0x3FC6] =	sst s2  }
0x7: {  	_ = 	snop  }
0x8: {  	s2 =	sld [smem:$0x3FD0];
	(tm) =	ssettm $0x1  }
0x9: {  	s19 =	sld [smem:$0x3FFB];
	_ =	sdelay $0x3  }
0xa: {  	_ =	strace s19  }
0xb: {  	s3 =	sld [smem:$0x3FFC];
	_ =	sdelay $0x3  }
0xc: {  	_ =	strace s3  }
0xd: {  	s3 =	sld [smem:$0x3FFD];
	_ =	sdelay $0x3  }
0xe: {  	_ =	strace s3  }
0xf: {  	_ =	strace $0x8FFFFFFF  }
0x10: {  	s20 =	sld [smem:$0x3FDB];
	_ =	sdelay $0x1  }
0x11: {  	s4 =	simm.s32 $_scs_section_size  }
0x12: {  	s5 =	simm.s32 $_size__tile_overlayer_lowered;
	s6 =	simm.s32 $_tile_overlayer_lowered  }
0x13: {  	s23 =	simm.s32 $0x1BFF;
	s22 =	sshll.u32 s6, $0x1;
	s3 =	sadd.s32 s4, s20  }
0x14: {  	s7 =	simm.s32 $0x0;
	s21 =	sshll.u32 s5, $0x1;
	s5 =	sadd.s32 s22, s3  }
0x15: {  	[timem:s7], [sflag:s23] =	dma.local [hbm:s5], s21  }
0x16: {  	_ =	swait.ge [sflag:s23], s21  }
0x17: {  	s4 =	ssub.s32 $0x0, s21;
	[sflag:s23] =	ssyncset.done $0x0  }
0x18: {  	[sflag:s23] =	ssyncadd.s32 s4;
	_ =	sdelay $0x1  }
0x19: {  	s24 =	simm.s32 $0x1B8B  }
0x1a: {  	_ =	swait.ge [sflag:s24], $0x1  }
0x1b: {  	[sflag:s24] =	ssyncset.done $0x0  }
0x1c: {  	s26 =	simm.s32 $0x1B8E;
	s25 =	sld [smem:$0x3FFE];
	[sflag:s24] =	ssyncadd.s32 $0xFFFFFFFF  }
0x1d: {  	s27 =	simm.s32 $execute0_lowered;
	[smem:$0x3FD2] =	sst s26  }
0x1e: {  	s5 =	sshll.u32 s27, $0x1;
	_ =	strace $0x80000049;
	[dreg:$0x1] =	wrdreg $0xFFFFFFFF  }
0x1f: {  	s28 =	simm.s32 $_size_execute0_lowered;
	s3 =	sadd.s32 s3, s5;
	[dreg:$0x0] =	wrdreg $0x0  }
0x20: {  	s5 =	sshll.u32 s28, $0x1;
	[dreg:$0x2] =	wrdreg s3  }
0x21: {  	[dreg:$0x3] =	wrdreg s5  }
0x22: {  	[dreg:$0x4] =	wrdreg $0xC0  }
0x23: {  	_ =	task [dreg:s7], $0x5FFFF  }
0x24: {  	[dreg:$0x1] =	wrdreg $0xFFFFFFFF  }
0x25: {  	[dreg:$0x0] =	wrdreg $0x60  }
0x26: {  	[dreg:$0x2] =	wrdreg s25  }
0x27: {  	[dreg:$0x3] =	wrdreg s2  }
0x28: {  	[dreg:$0x4] =	wrdreg $0x9  }
0x29: {  	_ =	task.clear_ibuf [dreg:s7], $0x5FFFF;
	_ =	strace $0x90000049  }
0x2a: {  	s29 =	simm.s32 $0x9;
	_ =	strace $0x8000004B  }
0x2b: {  	_ =	swait.ge [sflag:s29], $0x1  }
0x2c: {  	[sflag:s29] =	ssyncadd.s32 $0xFFFFFFFF  }
0x2d: {  	_ =	strace $0x9000004B  }
0x2e: {  	_ =	sfence  }
0x2f: {  	s30 =	sld [smem:$0x0];
	_ =	sdelay $0x2  }
0x30: {  	s31 =	sshll.u32 s1, $0xD;
	s1 =	sshrl.u32 s1, $0x2  }
0x31: {  	s3 =	sand.u32 $0x4000, s31;
	s1 =	sadd.s32 s1, s30  }
0x32: {  	s0 =	sor.u32 s3, s0;
	s1 =	sshll.u32 s1, $0x11  }
0x33: {  	s0 =	sor.u32 s1, s0  }
0x34: {  	s0 =	sadd.s32 $0x8F2B, s0  }
0x35: {  	[sflag:s0] =	ssyncadd.remote.s32 $0x1  }
0x36: {  	_ =	sfence.sel $0xFFFF  }
0x37: {  	[dreg:$0x0] =	wrdreg $0xFFFFFFFF;
	(pc) =	sbr.abs _section_cstart, $3  }
0x38: {  	[dreg:$0x1] =	wrdreg $0xFFFFFFFF  }
0x39: {  	_ =	task.clear_ibuf [dreg:s7], $0x2FFFF;
	_ =	strace $0x9FFFFFFF  }
0x3a: {  	(tm) =	ssettm $0x7FFFFFFF  }
0x3b: {  	_ =	shalt  }
tec
execute0_lowered:
.L_overlay_start_1:
0x0: {  	(tag) =	ssettag $0x1  }
0x1: {  	s0 =	srdreg.scid  }
0x2: {  	s1 =	sshll.u32 s0, $0x4  }
0x3: {  	s0 =	stileid.u32;
	s1 =	sand.u32 $0x10, s1  }
0x4: {  	s1 =	sor.u32 s0, s1  }
0x5: {  	s6 =	rddreg [dreg:$0x0];
	s4 =	simm.s32 $0x1;
	s2 =	sshll.u32 s1, $0x7  }
0x6: {  	s7 =	simm.s32 $0x2;
	s12 =	simm.s32 $0x0;
	s1 =	ssub.s32 $0x4000, s2  }
0x7: {  	s8 =	simm.s32 $0x20000;
	s13 =	simm.s32 $0x0;
	s3 =	sand.u32 $0xF80, s1  }
0x8: {  	s9 =	simm.s32 $0x0;
	s5 =	sshrl.u32 s1, $0xC;
	p0 =	sne.s32 s3, $0x0  }
.Ltmp0:
0x9: {  	s1 =	rddreg [dreg:$0x2];
	s4 =	simm.s32 @!p0 $0x0;
	(pc) =	sbr.rel .LBB1_1-.Ltmp0, $4  }
0xa: {  	s11 =	simm.s32 $0x0;
	s3 =	rddreg [dreg:$0x1];
	s5 =	sadd.s32 s4, s5  }
0xb: {  	_ =	strace $0x8000004A;
	s4 =	simm.s32 $0x1;
	s5 =	smul.u32 $0x32, s5  }
0xc: {  	s6 =	sadd.s32 $0xA00, s6;
	s10 =	smov.u32 s2;
	[sflag:s4] =	ssyncpa.u1 $0x0  }
0xd: {  	p0 =	por $0x0, $0x0;
	[sflag:s7] =	ssyncpa.u1 $0x0;
	s7 =	sor.u32 $0x1, s5  }
.LBB1_4:
0xe: {  	s16 =	sshll.u32 s13, $0x3;
	s17 =	sand.u32 $0x78, s13  }
0xf: {  	s30 =	sand.u32 $0x1F800, s13;
	s12 =	sshll.u32 s12, $0x11;
	s16 =	sand.u32 $0x3C00, s16  }
0x10: {  	[tilespmem:s15+$0x810 ss:$0x81] =	vst.msk $0xffff, v2;
	s31 =	sand.u32 $0x7, s13;
	s16 =	sor.u32 s17, s16;
	s17 =	sadd.s32 s3, s30  }
0x11: {  	[tilespmem:s15+$0x1020 ss:$0x81] =	vst.msk $0xffff, v0;
	s13 =	sshll.u32 s31, $0x12;
	s12 =	sadd.s32 s12, s17;
	s16 =	sshrl.u32 s16, $0x3  }
0x12: {  	[tilespmem:s15+$0x0 ss:$0x81] =	vst.msk $0xffff, v1;
	s13 =	sor.u32 $0x400, s13;
	s12 =	sadd.s32 s16, s12  }
0x13: {  	[hbm4b:s12+s13] =	stream.strided.scatter [tilespmem:s14], [sflag:$0x2], $0x2000, s8, s13, $0x20;
	[tilespmem:$0x8080] =	vst v63  }
.LBB1_5:
0x14: {  	s14 =	sadd.s32 $0x1, s9  }
0x15: {  	s12 =	sadd.s32 $0x1000, s10;
	s16 =	smov.u32 s10;
	p2 =	sgt.s32 s14, $0x31  }
0x16: {  	s16 =	smov.u32 @p2 s12  }
0x17: {  	s14 =	simm.s32 @p2 $0x0;
	p2 =	sgt.s32 s16, $0x3FFF  }
0x18: {  	s16 =	smov.u32 @p2 s2;
	p2 =	sne.s32 s11, s7  }
.Ltmp1:
0x19: {  	p1 =	slt.u32 s11, $0x2;
	(pc) =	sbr.rel @!p2 .LBB1_6-.Ltmp1, $4  }
0x1a: {  	s15 =	simm.s32 @!p1 $0x2  }
0x1b: {  	s13 =	smov.u32 s10;
	p0 =	por !p0, !p0;
	_ =	swait.ge @!p1 [sflag:s15], $0x2000  }
0x1c: {  	s12 =	smov.u32 s9;
	[sflag:s15] =	ssyncset.done @!p1 $0x0;
	s9 =	smov.u32 s14  }
0x1d: {  	s11 =	sadd.s32 $0x1, s11;
	[sflag:s15] =	ssyncadd.s32 @!p1 $0xFFFFE000;
	s10 =	smov.u32 s16  }
.LBB1_1:
0x1e: {  	p1 =	sge.u32 s11, s5  }
0x1f: {  	s14 =	sand.u32 @!p1 $0x1FFFFFF, s9  }
0x20: {  	s15 =	smulhi.u32 @!p1 $0x4924925, s14;
	_ =	sdelay $0x1  }
0x21: {  	s15 =	smul.u32 @!p1 $0x38, s15  }
0x22: {  	s16 =	sxor.u32 @!p1 $0xFFFFFFFF, s11;
	s17 =	smul.u32 @!p1 $0x380, s10  }
0x23: {  	s31 =	sadd.s32 $0xFFFFFFFF, s11;
	s16 =	sshll.u32 @!p1 s16, $0xD;
	s14 =	ssub.s32 @!p1 s14, s15  }
0x24: {  	s15 =	sand.u32 @!p1 $0x2000, s16;
	s16 =	sadd.s32 @!p1 s6, s17;
	s14 =	sshll.u32 @!p1 s14, $0x4  }
0x25: {  	s17 =	simm.s32 @!p1 $0x1C00;
	s14 =	sadd.s32 @!p1 s14, s16;
	s16 =	simm.s32 @!p1 $0x40  }
0x26: {  	[tilespmem:s15], [sflag:$0x1] =	stream.strided.gather @!p1 [hbm4b:s14+s16], $0x2000, s17, s16, $0x38;
	[tilespmem:$0x8080] =	vst v63  }
0x27: {  	p1 =	sge.u32 s31, s5  }
.Ltmp2:
0x28: {  	_ = 	snop;
	(pc) =	sbr.rel @p1 .LBB1_5-.Ltmp2, $1  }
0x29: {  	_ =	sdelay $0x3  }
0x2a: {  	s14 =	simm.s32 $0x1  }
0x2b: {  	_ =	swait.ge [sflag:s4], $0x2000;
	s14 =	simm.s32 @!p0 $0x0  }
0x2c: {  	[sflag:s4] =	ssyncset.done $0x0;
	s15 =	sshll.u32 s14, $0xD  }
0x2d: {  	[sflag:s4] =	ssyncadd.s32 $0xFFFFE000;
	s18 =	sor.u32 $0x20, s15  }
0x2e: {  	s14 =	smul.u32 $0x8100, s14;
	v3 =	vld [tilespmem:s18+$0x10]  }
0x2f: {  	s30 =	sand.u32 $0x1, s11;
	v2 =	vld [tilespmem:s18+$0xFFFFFFF0]  }
0x30: {  	s15 =	smul.u32 $0x8100, s30;
	s14 =	sshrl.u32 s14, $0x2;
	v0 =	vld [tilespmem:s18+$0x0]  }
0x31: {  	v1 =	vld [tilespmem:s18+$0xFFFFFFE0];
	s16 =	sor.u32 $0x4000, s14  }
0x32: {  	s31 =	sshrl.u32 s15, $0x2;
	s15 =	sadd.s32 $0x0, s16  }
0x33: {  	s17 =	simm.s32 $0x4;
	s18 =	sadd.s32 $0x40, s18;
	s14 =	sor.u32 $0x4000, s31;
	[tilespmem:s15+$0x1830 ss:$0x81] =	vst.msk $0xffff, v3  }
.LBB1_3:
0x34: {  	v3 =	vld [tilespmem:s18+$0x10];
	p1 =	sne.s32 s17, $0x1FC;
	[tilespmem:s15+$0x810 ss:$0x81] =	vst.msk $0xffff, v2;
	s19 =	smov.u32 s17;
	s17 =	sadd.s32 $0x4, s17  }
.Ltmp3:
0x35: {  	v2 =	vld [tilespmem:s18+$0xFFFFFFF0];
	[tilespmem:s15+$0x1020 ss:$0x81] =	vst.msk $0xffff, v0;
	(pc) =	sbr.rel @p1 .LBB1_3-.Ltmp3, $4  }
0x36: {  	v0 =	vld [tilespmem:s18+$0x0];
	[tilespmem:s15+$0x0 ss:$0x81] =	vst.msk $0xffff, v1  }
0x37: {  	s15 =	sshra.s32 s19, $0x2;
	v1 =	vld [tilespmem:s18+$0xFFFFFFE0]  }
0x38: {  	s15 =	sadd.s32 s15, s16  }
0x39: {  	s18 =	sadd.s32 $0x40, s18;
	[tilespmem:s15+$0x1830 ss:$0x81] =	vst.msk $0xffff, v3  }
.Ltmp4:
0x3a: {  	_ = 	snop;
	(pc) =	sbr.rel .LBB1_4-.Ltmp4, $1  }
0x3b: {  	_ =	sdelay $0x3  }
.LBB1_6:
0x3c: {  	_ =	sfence.sel $0x180000  }
0x3d: {  	s2 =	simm.s32 $0x1;
	[bflag:$0x0] =	sbarrier.arrive $0xFFFF  }
0x3e: {  	s31 =	simm.s32 $0x2;
	[sflag:s2] =	ssyncpa.u1 $0x1  }
0x3f: {  	[sflag:s31] =	ssyncpa.u1 $0x1  }
0x40: {  	p0 =	sne.s32 s0, $0x0;
	_ =	strace $0x9000004A  }
0x41: {  	s0 =	sadd.s32 @!p0 $0x100000, s1;
	[bflag:$0x2] =	sbarrier.arrive $0xFFFF  }
0x42: {  	[sflag:s0] =	ssyncadd.tile.s32 @!p0 $0x1;
	_ =	shalt  }
.Lfunc_end1:
_tile_overlayer_lowered:
.L_overlay_start_2:
0x43: {  	(tag) =	ssettag $0x2  }
0x44: {  	s0 =	rddreg [dreg:$0x0];
	s2 =	stileid.u32  }
0x45: {  	s1 =	rddreg [dreg:$0x1];
	p0 =	sne.s32 s2, $0x0  }
0x46: {  	s3 =	rddreg [dreg:$0x2];
	[bflag:$0x3] =	sbarrier.arrive $0xFFFF;
	s2 =	simm.s32 @!p0 $0x1C01  }
0x47: {  	[timem:s3], [sflag:s2] =	dma.local @!p0 [hbm:s0], s1  }
0x48: {  	s0 =	simm.s32 @!p0 $0x1  }
0x49: {  	_ =	swait.ge @!p0 [sflag:s0], s1  }
0x4a: {  	s1 =	ssub.s32 @!p0 $0x0, s1;
	[sflag:s0] =	ssyncset.done @!p0 $0x0  }
0x4b: {  	[sflag:s0] =	ssyncadd.s32 @!p0 s1  }
0x4c: {  	[bflag:$0x3] =	sbarrier.arrive $0xFFFF  }
0x4d: {  	_ =	shalt  }

</sc_bundles>
